<compile_context>
chip_gen: v7x
topology: tpu7x:2x2x1
jax: 0.10.2.dev20260603
libtpu: 0.0.44.dev20260713+nightly
codegen_flags: <defaults>
</compile_context>

<pallas_src>
import functools

import numpy as np
import jax
import jax.numpy as jnp
from jax import lax
from jax.experimental import pallas as pl
from jax.experimental.pallas import tpu as pltpu
from jax.experimental.pallas import tpu_sc as plsc

B = 4
L = 3136
D = 192
U = 450
UP = 512
LP = 3200
NW = 32
RPW = (B * L) // NW
SCALE = 1.0 / np.sqrt(192.0)


def _proj_body(x1_ref, x2_ref, w_ref, b_ref, q_ref, k_ref, v_ref):
    w = w_ref[...]
    acc = jnp.dot(w[:, :96], x1_ref[0], preferred_element_type=jnp.float32)
    acc = acc + jnp.dot(w[:, 96:], x2_ref[0], preferred_element_type=jnp.float32)
    acc = acc + b_ref[...]
    q_ref[0] = acc[0:D]
    k_ref[0] = acc[D:2 * D]
    v_ref[0] = acc[2 * D:3 * D]


def _tc_proj(x1, x2, w, bias):
    spec = pl.BlockSpec((1, D, L), lambda b: (b, 0, 0))
    return pl.pallas_call(
        _proj_body,
        grid=(B,),
        in_specs=[
            pl.BlockSpec((1, 96, L), lambda b: (b, 0, 0)),
            pl.BlockSpec((1, 96, L), lambda b: (b, 0, 0)),
            pl.BlockSpec((576, D), lambda b: (0, 0)),
            pl.BlockSpec((576, 1), lambda b: (0, 0)),
        ],
        out_specs=[spec, spec, spec],
        out_shape=[jax.ShapeDtypeStruct((B, D, L), jnp.float32)] * 3,
    )(x1, x2, w, bias)


def _scores_body(ks_ref, q_ref, out_ref):
    ks = ks_ref[0]
    q = q_ref[0]
    qks = lax.dot_general(ks, q, (((1,), (1,)), ((), ())),
                          preferred_element_type=jnp.float32)
    rvalid = lax.broadcasted_iota(jnp.int32, (UP, 1), 0) < U
    mx = jnp.max(jnp.where(rvalid, qks, -jnp.inf), axis=0, keepdims=True)
    sm = jnp.sum(jnp.where(rvalid, qks, 0.0), axis=0, keepdims=True)
    m = mx - sm * jnp.float32(1.0 / L)

    bits = lax.bitcast_convert_type(m, jnp.int32)
    key = bits ^ (lax.shift_right_arithmetic(bits, 31) & jnp.int32(0x7FFFFFFF))

    cnt0 = jnp.sum((key >= 0).astype(jnp.int32))
    lo0 = jnp.where(cnt0 >= U, jnp.int32(0), jnp.int32(-(2 ** 31)))
    hi0 = jnp.where(cnt0 >= U, jnp.int32(2 ** 31 - 1), jnp.int32(-1))

    def step(_, lh):
        lo, hi = lh
        d = hi - lo
        mid = lo + (lax.shift_right_logical(d, 1) + (d & 1))
        good = jnp.sum((key >= mid).astype(jnp.int32)) >= U
        return jnp.where(good, mid, lo), jnp.where(good, hi, mid - 1)

    kth, _ = lax.fori_loop(0, 31, step, (lo0, hi0))

    c_gt = jnp.sum((key > kth).astype(jnp.int32))
    need = U - c_gt
    li = lax.broadcasted_iota(jnp.int32, (1, L), 1)
    eq = key == kth

    def step2(_, lh):
        lo2, hi2 = lh
        mid = lax.shift_right_logical(lo2 + hi2, 1)
        good = jnp.sum((eq & (li <= mid)).astype(jnp.int32)) >= need
        return jnp.where(good, lo2, mid + 1), jnp.where(good, mid, hi2)

    jt, _ = lax.fori_loop(0, 12, step2, (jnp.int32(0), jnp.int32(L - 1)))

    tbits = kth ^ (lax.shift_right_arithmetic(kth, 31) & jnp.int32(0x7FFFFFFF))
    t = lax.bitcast_convert_type(tbits, jnp.float32)
    out_ref[0] = jnp.concatenate(
        [m,
         jnp.full((1, 16), t, jnp.float32),
         jnp.full((1, 16), jt.astype(jnp.float32), jnp.float32),
         jnp.zeros((1, 32), jnp.float32)], axis=1)


def _tc_scores(ksamp, q):
    return pl.pallas_call(
        _scores_body,
        grid=(B,),
        in_specs=[
            pl.BlockSpec((1, UP, D), lambda b: (b, 0, 0)),
            pl.BlockSpec((1, L, D), lambda b: (b, 0, 0)),
        ],
        out_specs=pl.BlockSpec((1, 1, LP), lambda b: (b, 0, 0)),
        out_shape=jax.ShapeDtypeStruct((B, 1, LP), jnp.float32),
    )(ksamp, q)


def _attn_body(qr_ref, k_ref, v_ref, out_ref):
    qr = qr_ref[0]
    k = k_ref[0]
    v = v_ref[0]
    s = lax.dot_general(qr, k, (((1,), (1,)), ((), ())),
                        preferred_element_type=jnp.float32) * jnp.float32(SCALE)
    mx = jnp.max(s, axis=1, keepdims=True)
    e = jnp.exp(s - mx)
    attn = e / jnp.sum(e, axis=1, keepdims=True)
    upd = jnp.dot(attn, v, preferred_element_type=jnp.float32)
    vmean = jnp.mean(v, axis=0, keepdims=True)
    ri = lax.broadcasted_iota(jnp.int32, (UP, 1), 0)
    out_ref[0] = jnp.where(ri == U, vmean, upd)


def _tc_attn(qred, k, v):
    return pl.pallas_call(
        _attn_body,
        grid=(B,),
        in_specs=[
            pl.BlockSpec((1, UP, D), lambda b: (b, 0, 0)),
            pl.BlockSpec((1, L, D), lambda b: (b, 0, 0)),
            pl.BlockSpec((1, L, D), lambda b: (b, 0, 0)),
        ],
        out_specs=pl.BlockSpec((1, UP, D), lambda b: (b, 0, 0)),
        out_shape=jax.ShapeDtypeStruct((B, UP, D), jnp.float32),
    )(qred, k, v)


def _sc_ksample_body(kflat_hbm, idx_hbm, out_hbm, idx_v, rows_v, sem):
    wid = lax.axis_index("c") * 16 + lax.axis_index("s")
    base = wid * 64
    pltpu.sync_copy(idx_hbm.at[pl.ds(base, 64)], idx_v)
    pltpu.async_copy(kflat_hbm.at[idx_v], rows_v, sem).wait()
    pltpu.sync_copy(rows_v, out_hbm.at[pl.ds(base, 64)])


def _sc_select_body(maux_hbm, qflat_hbm, dlist_hbm, qred_hbm, m_v, il_v, qr_v, sem):
    cid = lax.axis_index("c")
    sid = lax.axis_index("s")

    @pl.when(sid < 2)
    def _():
        b = cid * 2 + sid
        pltpu.sync_copy(maux_hbm.at[b], m_v)
        zeros16 = jnp.zeros((16,), jnp.int32)
        for j in range(4):
            for i in range(8):
                il_v[j, pl.ds(i * 16, 16)] = zeros16
        tvec = m_v[pl.ds(L, 16)]
        jtvec = m_v[pl.ds(L + 16, 16)].astype(jnp.int32)
        lanes = lax.iota(jnp.int32, 16)

        def cstep(i, cnt):
            v = m_v[pl.ds(i * 16, 16)]
            gidx = lanes + i * 16
            mask = (v > tvec) | ((v == tvec) & (gidx <= jtvec))
            mi = mask.astype(jnp.int32)
            pos = cnt + plsc.cumsum(mi) - 1
            plsc.store_scatter(il_v, [pos // 128, pos % 128],
                               gidx + b * L, mask=mask)
            return cnt + plsc.all_reduce_population_count(mask)

        lax.fori_loop(0, L // 16, cstep, jnp.zeros((16,), jnp.int32))

        for j in range(4):
            pltpu.async_copy(qflat_hbm.at[il_v.at[j]],
                             qr_v.at[pl.ds(j * 128, 128)], sem).wait()
        pltpu.sync_copy(qr_v, qred_hbm.at[b])
        lanes = lax.iota(jnp.int32, 16)
        for i in range(4, 8):
            cur = il_v[3, pl.ds(i * 16, 16)]
            pad = (lanes + i * 16) >= (U - 384)
            il_v[3, pl.ds(i * 16, 16)] = jnp.where(pad, jnp.int32(B * L), cur)
        pltpu.sync_copy(il_v, dlist_hbm.at[b])


def _sc_assemble_body(upd_hbm, dlist_hbm, out_hbm, vrow_v, fill_v, idx_v,
                      rows_v, sem, wsem):
    cid = lax.axis_index("c")
    sid = lax.axis_index("s")
    wid = cid * 16 + sid
    base = wid * RPW
    b = wid // 8
    pltpu.sync_copy(upd_hbm.at[b * UP + U], vrow_v)

    def rstep(r, carry):
        for j in range(D // 16):
            fill_v[r, pl.ds(j * 16, 16)] = vrow_v[pl.ds(j * 16, 16)]
        return carry

    lax.fori_loop(0, 56, rstep, jnp.int32(0))
    for t in range(RPW // 56):
        pltpu.async_copy(fill_v, out_hbm.at[pl.ds(base + t * 56, 56)], wsem)
    for t in range(RPW // 56):
        pltpu.make_async_copy(fill_v, out_hbm.at[pl.ds(base + t * 56, 56)],
                              wsem).wait()
    plsc.subcore_barrier()
    g0 = cid * (2 * UP) + sid * 64
    pltpu.sync_copy(dlist_hbm.at[pl.ds(g0, 64)], idx_v)
    pltpu.sync_copy(upd_hbm.at[pl.ds(g0, 64)], rows_v)
    pltpu.async_copy(rows_v, out_hbm.at[idx_v], sem).wait()


@functools.cache
def _sc_kernels():
    mesh = plsc.VectorSubcoreMesh(core_axis_name="c", subcore_axis_name="s")
    params = pltpu.CompilerParams(use_tc_tiling_on_sc=False,
                                  needs_layout_passes=False)
    ksample = functools.partial(
        pl.kernel,
        compiler_params=params,
        out_type=jax.ShapeDtypeStruct((B * UP, D), jnp.float32),
        mesh=mesh,
        scratch_types=[pltpu.VMEM((64,), jnp.int32),
                       pltpu.VMEM((64, D), jnp.float32),
                       pltpu.SemaphoreType.DMA],
    )(_sc_ksample_body)
    select = functools.partial(
        pl.kernel,
        compiler_params=params,
        out_type=[jax.ShapeDtypeStruct((B, 4, 128), jnp.int32),
                  jax.ShapeDtypeStruct((B, UP, D), jnp.float32)],
        mesh=mesh,
        scratch_types=[pltpu.VMEM((LP,), jnp.float32),
                       pltpu.VMEM((4, 128), jnp.int32),
                       pltpu.VMEM((UP, D), jnp.float32),
                       pltpu.SemaphoreType.DMA],
    )(_sc_select_body)
    assemble = functools.partial(
        pl.kernel,
        compiler_params=params,
        out_type=jax.ShapeDtypeStruct((B * L + 8, D), jnp.float32),
        mesh=mesh,
        scratch_types=[pltpu.VMEM((D,), jnp.float32),
                       pltpu.VMEM((56, D), jnp.float32),
                       pltpu.VMEM((64,), jnp.int32),
                       pltpu.VMEM((64, D), jnp.float32),
                       pltpu.SemaphoreType.DMA,
                       pltpu.SemaphoreType.DMA],
    )(_sc_assemble_body)
    return ksample, select, assemble


def _sc_ksample(kflat, idxpad):
    return _sc_kernels()[0](kflat, idxpad)


def _sc_select(maux, qflat):
    return _sc_kernels()[1](maux, qflat)


def _sc_assemble(updflat, dlist):
    return _sc_kernels()[2](updflat, dlist)


def kernel(input_1, input_2, Wq, bq, Wk, bk, Wv, bv):
    x1 = input_1.reshape(B, 96, L)
    x2 = input_2.reshape(B, 96, L)
    w = jnp.concatenate([Wq, Wk, Wv], axis=0)
    bias = jnp.concatenate([bq, bk, bv], axis=0).reshape(576, 1)

    q_out, k_out, v_out = _tc_proj(x1, x2, w, bias)
    q = q_out.reshape(B, L, D)
    k = k_out.reshape(B, L, D)
    v = v_out.reshape(B, L, D)
    qflat = q.reshape(B * L, D)
    kflat = k.reshape(B * L, D)

    idx_s = jax.random.randint(jax.random.key(42), (U,), 0, L)
    offs = (jnp.arange(B, dtype=jnp.int32) * L)[:, None]
    idxpad = (jnp.zeros((B, UP), jnp.int32)
              .at[:, :U].set(idx_s.astype(jnp.int32)[None, :] + offs)
              .reshape(B * UP))

    ksamp = _sc_ksample(kflat, idxpad)
    maux = _tc_scores(ksamp.reshape(B, UP, D), q)
    dlist, qred = _sc_select(maux.reshape(B, LP), qflat)
    upd = _tc_attn(qred, k, v)
    outf = _sc_assemble(upd.reshape(B * UP, D),
                        dlist.reshape(B * UP))
    return outf[:B * L].reshape(B, D, 56, 56)

# --- scband reference (transcript-rebuilt; emitter-appended) ---
"""Pipeline reference for scband-prob-attention-55087250538864 (READ-ONLY COPY).

The authoritative reference and input builder live on the scoring server;
editing this copy changes nothing except your own understanding.
"""

import jax, jax.numpy as jnp
import numpy as np

IN_C = 192
OUT_C = 192
FACTOR = 50


def setup_inputs(seed: int = 0):
    key = jax.random.key(seed)
    ks = jax.random.split(key, 8)
    B, Ch, Wd, Ht = 4, 96, 56, 56
    s = 1.0 / np.sqrt(IN_C)
    return {
        "input_1": jax.random.normal(ks[0], (B, Ch, Wd, Ht), jnp.float32),
        "input_2": jax.random.normal(ks[1], (B, Ch, Wd, Ht), jnp.float32),
        "Wq": jax.random.normal(ks[2], (OUT_C, IN_C), jnp.float32) * s,
        "bq": jnp.zeros((OUT_C,), jnp.float32),
        "Wk": jax.random.normal(ks[3], (OUT_C, IN_C), jnp.float32) * s,
        "bk": jnp.zeros((OUT_C,), jnp.float32),
        "Wv": jax.random.normal(ks[4], (OUT_C, IN_C), jnp.float32) * s,
        "bv": jnp.zeros((OUT_C,), jnp.float32),
    }


def reference(input_1, input_2, Wq, bq, Wk, bk, Wv, bv):
    x = jnp.concatenate([input_1, input_2], axis=1)
    B, C, Wd, Ht = x.shape
    L = Wd * Ht

    def conv1x1(inp, W, b):
        return jnp.einsum('bchw,oc->bohw', inp, W) + b[None, :, None, None]

    # NOTE: torch .view(B, 1, W*H, -1) on a (B, C_out, W, H) contiguous tensor is a raw
    # reshape (NOT a channel/spatial permute); we reproduce that faithfully.
    q = conv1x1(x, Wq, bq).reshape(B, 1, L, OUT_C)
    k = conv1x1(x, Wk, bk).reshape(B, 1, L, OUT_C)
    v = conv1x1(x, Wv, bv).reshape(B, 1, L, OUT_C)

    U_part = min(FACTOR * int(np.ceil(np.log(L))), L)
    u = min(FACTOR * int(np.ceil(np.log(L))), L)

    # torch.randint on global RNG -> fixed key for determinism
    idx_s = jax.random.randint(jax.random.key(42), (U_part,), 0, L)
    K_sample = k[:, :, idx_s, :]
    QKs = jnp.einsum('bhld,bhsd->bhls', q, K_sample)
    M = QKs.max(axis=-1) - QKs.sum(axis=-1) / L
    M_top = jax.lax.top_k(M, u)[1]
    Q_reduce = jnp.take_along_axis(q, M_top[..., None], axis=2)
    scores = jnp.einsum('bhud,bhld->bhul', Q_reduce, k) * (1.0 / np.sqrt(IN_C))

    context = jnp.broadcast_to(v.mean(axis=2, keepdims=True), (B, 1, L, OUT_C))
    attn = jax.nn.softmax(scores, axis=-1)
    upd = jnp.einsum('bhul,bhld->bhud', attn, v)
    bi = jnp.arange(B)[:, None, None]
    hi = jnp.arange(1)[None, :, None]
    context = context.at[bi, hi, M_top].set(upd)

    # torch .transpose(2,1).contiguous().view(B, out_C, W, H) with H(head)=1
    return jnp.transpose(context, (0, 2, 1, 3)).reshape(B, OUT_C, Wd, Ht)

if __name__ == "__main__":
    import jax
    _d = setup_inputs()
    print(jax.jit(kernel)(*tuple(_d.values())))

</pallas_src>

<mosaic_0001>
#map = affine_map<(d0, d1) -> (0, 0)>
#map1 = affine_map<(d0, d1) -> (0, 0, 0)>
module attributes {stable_mosaic.version = 14 : i64} {
  func.func @_sc_select_body(%arg0: i32, %arg1: i32, %arg2: memref<4x3200xf32, #tpu.memory_space<hbm>>, %arg3: memref<12544x192xf32, #tpu.memory_space<hbm>>, %arg4: memref<4x4x128xi32, #tpu.memory_space<hbm>>, %arg5: memref<4x512x192xf32, #tpu.memory_space<hbm>>, %arg6: memref<3200xf32, #tpu.memory_space<vmem>>, %arg7: memref<4x128xi32, #tpu.memory_space<vmem>>, %arg8: memref<512x192xf32, #tpu.memory_space<vmem>>, %arg9: memref<!tpu.dma_semaphore, #tpu.memory_space<semaphore_mem>>) attributes {dimension_semantics = [#tpu.dimension_semantics<core_parallel>, #tpu.dimension_semantics<subcore_parallel>], iteration_bounds = array<i64: 2, 16>, scalar_prefetch = 0 : i64, scratch_operands = 4 : i64, tpu.core_type = #tpu.core_type<sc_vector_subcore>, window_params = [{transform_indices = #map}, {transform_indices = #map}, {transform_indices = #map1}, {transform_indices = #map1}]} {
    %lt3A = arith.constant 2 : i32
    %lt3A_0 = arith.cmpi slt, %arg1, %lt3A : i32
    %convert_element_type3A = arith.extui %lt3A_0 : i1 to i32
    %cond3A = arith.constant 0 : i32
    %cond3A_1 = arith.cmpi ne, %convert_element_type3A, %cond3A : i32
    scf.if %cond3A_1 {
      %mul3A = arith.constant 2 : i32
      %mul3A_2 = arith.muli %arg0, %mul3A : i32
      %add3A = arith.addi %mul3A_2, %arg1 : i32
      "tpu.region"() ({
        %run_scoped3A = tpu.sem_alloc : memref<!tpu.dma_semaphore, #tpu.memory_space<semaphore_mem>>
        %dma_start3A_286 = arith.constant 0 : i32
        %dma_start3A_287 = tpu.memref_slice %arg2[%add3A, %dma_start3A_286] : memref<4x3200xf32, #tpu.memory_space<hbm>> -> memref<1x3200xf32, #tpu.memory_space<hbm>>
        %dma_start3A_288 = tpu.memref_squeeze %dma_start3A_287 : memref<1x3200xf32, #tpu.memory_space<hbm>> -> memref<3200xf32, #tpu.memory_space<hbm>>
        %dma_start3A_289 = arith.constant 0 : i32
        %dma_start3A_290 = tpu.memref_slice %arg2[%add3A, %dma_start3A_289] : memref<4x3200xf32, #tpu.memory_space<hbm>> -> memref<1x3200xf32, #tpu.memory_space<hbm>>
        %dma_start3A_291 = tpu.memref_squeeze %dma_start3A_290 : memref<1x3200xf32, #tpu.memory_space<hbm>> -> memref<3200xf32, #tpu.memory_space<hbm>>
        tpu.enqueue_dma source(%dma_start3A_291 : memref<3200xf32, #tpu.memory_space<hbm>>) target(%arg6 : memref<3200xf32, #tpu.memory_space<vmem>>) target_semaphore(%run_scoped3A : memref<!tpu.dma_semaphore, #tpu.memory_space<semaphore_mem>>)
        %dma_wait3A_292 = arith.constant 0 : i32
        %dma_wait3A_293 = tpu.memref_slice %arg2[%add3A, %dma_wait3A_292] : memref<4x3200xf32, #tpu.memory_space<hbm>> -> memref<1x3200xf32, #tpu.memory_space<hbm>>
        %dma_wait3A_294 = tpu.memref_squeeze %dma_wait3A_293 : memref<1x3200xf32, #tpu.memory_space<hbm>> -> memref<3200xf32, #tpu.memory_space<hbm>>
        %dma_wait3A_295 = arith.constant 0 : i32
        %dma_wait3A_296 = tpu.memref_slice %arg2[%add3A, %dma_wait3A_295] : memref<4x3200xf32, #tpu.memory_space<hbm>> -> memref<1x3200xf32, #tpu.memory_space<hbm>>
        %dma_wait3A_297 = tpu.memref_squeeze %dma_wait3A_296 : memref<1x3200xf32, #tpu.memory_space<hbm>> -> memref<3200xf32, #tpu.memory_space<hbm>>
        tpu.wait_dma2 semaphore(%run_scoped3A : memref<!tpu.dma_semaphore, #tpu.memory_space<semaphore_mem>>) src(%dma_wait3A_297 : memref<3200xf32, #tpu.memory_space<hbm>>) dst(%arg6 : memref<3200xf32, #tpu.memory_space<vmem>>)
        tpu.yield
      }) : () -> ()
      %broadcast_in_dim3A = arith.constant 0 : i32
      %broadcast_in_dim3A_3 = vector.broadcast %broadcast_in_dim3A : i32 to vector<16xi32>
      %swap3A = arith.constant 0 : i32
      %swap3A_4 = arith.index_cast %swap3A : i32 to index
      %swap3A_5 = arith.constant 0 : index
      %swap3A_6 = tpu.vector_load %arg7[%swap3A_4, %swap3A_5] {strides = array<i32>} : memref<4x128xi32, #tpu.memory_space<vmem>>, vector<16xi32>,
      tpu.vector_store %arg7[%swap3A_4, %swap3A_5], %broadcast_in_dim3A_3 {strides = array<i32>} : memref<4x128xi32, #tpu.memory_space<vmem>>, vector<16xi32>,
      %swap3A_7 = arith.constant 0 : i32
      %swap3A_8 = arith.index_cast %swap3A_7 : i32 to index
      %swap3A_9 = arith.constant 16 : index
      %swap3A_10 = tpu.vector_load %arg7[%swap3A_8, %swap3A_9] {strides = array<i32>} : memref<4x128xi32, #tpu.memory_space<vmem>>, vector<16xi32>,
      tpu.vector_store %arg7[%swap3A_8, %swap3A_9], %broadcast_in_dim3A_3 {strides = array<i32>} : memref<4x128xi32, #tpu.memory_space<vmem>>, vector<16xi32>,
      %swap3A_11 = arith.constant 0 : i32
      %swap3A_12 = arith.index_cast %swap3A_11 : i32 to index
      %swap3A_13 = arith.constant 32 : index
      %swap3A_14 = tpu.vector_load %arg7[%swap3A_12, %swap3A_13] {strides = array<i32>} : memref<4x128xi32, #tpu.memory_space<vmem>>, vector<16xi32>,
      tpu.vector_store %arg7[%swap3A_12, %swap3A_13], %broadcast_in_dim3A_3 {strides = array<i32>} : memref<4x128xi32, #tpu.memory_space<vmem>>, vector<16xi32>,
      %swap3A_15 = arith.constant 0 : i32
      %swap3A_16 = arith.index_cast %swap3A_15 : i32 to index
      %swap3A_17 = arith.constant 48 : index
      %swap3A_18 = tpu.vector_load %arg7[%swap3A_16, %swap3A_17] {strides = array<i32>} : memref<4x128xi32, #tpu.memory_space<vmem>>, vector<16xi32>,
      tpu.vector_store %arg7[%swap3A_16, %swap3A_17], %broadcast_in_dim3A_3 {strides = array<i32>} : memref<4x128xi32, #tpu.memory_space<vmem>>, vector<16xi32>,
      %swap3A_19 = arith.constant 0 : i32
      %swap3A_20 = arith.index_cast %swap3A_19 : i32 to index
      %swap3A_21 = arith.constant 64 : index
      %swap3A_22 = tpu.vector_load %arg7[%swap3A_20, %swap3A_21] {strides = array<i32>} : memref<4x128xi32, #tpu.memory_space<vmem>>, vector<16xi32>,
      tpu.vector_store %arg7[%swap3A_20, %swap3A_21], %broadcast_in_dim3A_3 {strides = array<i32>} : memref<4x128xi32, #tpu.memory_space<vmem>>, vector<16xi32>,
      %swap3A_23 = arith.constant 0 : i32
      %swap3A_24 = arith.index_cast %swap3A_23 : i32 to index
      %swap3A_25 = arith.constant 80 : index
      %swap3A_26 = tpu.vector_load %arg7[%swap3A_24, %swap3A_25] {strides = array<i32>} : memref<4x128xi32, #tpu.memory_space<vmem>>, vector<16xi32>,
      tpu.vector_store %arg7[%swap3A_24, %swap3A_25], %broadcast_in_dim3A_3 {strides = array<i32>} : memref<4x128xi32, #tpu.memory_space<vmem>>, vector<16xi32>,
      %swap3A_27 = arith.constant 0 : i32
      %swap3A_28 = arith.index_cast %swap3A_27 : i32 to index
      %swap3A_29 = arith.constant 96 : index
      %swap3A_30 = tpu.vector_load %arg7[%swap3A_28, %swap3A_29] {strides = array<i32>} : memref<4x128xi32, #tpu.memory_space<vmem>>, vector<16xi32>,
      tpu.vector_store %arg7[%swap3A_28, %swap3A_29], %broadcast_in_dim3A_3 {strides = array<i32>} : memref<4x128xi32, #tpu.memory_space<vmem>>, vector<16xi32>,
      %swap3A_31 = arith.constant 0 : i32
      %swap3A_32 = arith.index_cast %swap3A_31 : i32 to index
      %swap3A_33 = arith.constant 112 : index
      %swap3A_34 = tpu.vector_load %arg7[%swap3A_32, %swap3A_33] {strides = array<i32>} : memref<4x128xi32, #tpu.memory_space<vmem>>, vector<16xi32>,
      tpu.vector_store %arg7[%swap3A_32, %swap3A_33], %broadcast_in_dim3A_3 {strides = array<i32>} : memref<4x128xi32, #tpu.memory_space<vmem>>, vector<16xi32>,
      %swap3A_35 = arith.constant 1 : i32
      %swap3A_36 = arith.index_cast %swap3A_35 : i32 to index
      %swap3A_37 = arith.constant 0 : index
      %swap3A_38 = tpu.vector_load %arg7[%swap3A_36, %swap3A_37] {strides = array<i32>} : memref<4x128xi32, #tpu.memory_space<vmem>>, vector<16xi32>,
      tpu.vector_store %arg7[%swap3A_36, %swap3A_37], %broadcast_in_dim3A_3 {strides = array<i32>} : memref<4x128xi32, #tpu.memory_space<vmem>>, vector<16xi32>,
      %swap3A_39 = arith.constant 1 : i32
      %swap3A_40 = arith.index_cast %swap3A_39 : i32 to index
      %swap3A_41 = arith.constant 16 : index
      %swap3A_42 = tpu.vector_load %arg7[%swap3A_40, %swap3A_41] {strides = array<i32>} : memref<4x128xi32, #tpu.memory_space<vmem>>, vector<16xi32>,
      tpu.vector_store %arg7[%swap3A_40, %swap3A_41], %broadcast_in_dim3A_3 {strides = array<i32>} : memref<4x128xi32, #tpu.memory_space<vmem>>, vector<16xi32>,
      %swap3A_43 = arith.constant 1 : i32
      %swap3A_44 = arith.index_cast %swap3A_43 : i32 to index
      %swap3A_45 = arith.constant 32 : index
      %swap3A_46 = tpu.vector_load %arg7[%swap3A_44, %swap3A_45] {strides = array<i32>} : memref<4x128xi32, #tpu.memory_space<vmem>>, vector<16xi32>,
      tpu.vector_store %arg7[%swap3A_44, %swap3A_45], %broadcast_in_dim3A_3 {strides = array<i32>} : memref<4x128xi32, #tpu.memory_space<vmem>>, vector<16xi32>,
      %swap3A_47 = arith.constant 1 : i32
      %swap3A_48 = arith.index_cast %swap3A_47 : i32 to index
      %swap3A_49 = arith.constant 48 : index
      %swap3A_50 = tpu.vector_load %arg7[%swap3A_48, %swap3A_49] {strides = array<i32>} : memref<4x128xi32, #tpu.memory_space<vmem>>, vector<16xi32>,
      tpu.vector_store %arg7[%swap3A_48, %swap3A_49], %broadcast_in_dim3A_3 {strides = array<i32>} : memref<4x128xi32, #tpu.memory_space<vmem>>, vector<16xi32>,
      %swap3A_51 = arith.constant 1 : i32
      %swap3A_52 = arith.index_cast %swap3A_51 : i32 to index
      %swap3A_53 = arith.constant 64 : index
      %swap3A_54 = tpu.vector_load %arg7[%swap3A_52, %swap3A_53] {strides = array<i32>} : memref<4x128xi32, #tpu.memory_space<vmem>>, vector<16xi32>,
      tpu.vector_store %arg7[%swap3A_52, %swap3A_53], %broadcast_in_dim3A_3 {strides = array<i32>} : memref<4x128xi32, #tpu.memory_space<vmem>>, vector<16xi32>,
      %swap3A_55 = arith.constant 1 : i32
      %swap3A_56 = arith.index_cast %swap3A_55 : i32 to index
      %swap3A_57 = arith.constant 80 : index
      %swap3A_58 = tpu.vector_load %arg7[%swap3A_56, %swap3A_57] {strides = array<i32>} : memref<4x128xi32, #tpu.memory_space<vmem>>, vector<16xi32>,
      tpu.vector_store %arg7[%swap3A_56, %swap3A_57], %broadcast_in_dim3A_3 {strides = array<i32>} : memref<4x128xi32, #tpu.memory_space<vmem>>, vector<16xi32>,
      %swap3A_59 = arith.constant 1 : i32
      %swap3A_60 = arith.index_cast %swap3A_59 : i32 to index
      %swap3A_61 = arith.constant 96 : index
      %swap3A_62 = tpu.vector_load %arg7[%swap3A_60, %swap3A_61] {strides = array<i32>} : memref<4x128xi32, #tpu.memory_space<vmem>>, vector<16xi32>,
      tpu.vector_store %arg7[%swap3A_60, %swap3A_61], %broadcast_in_dim3A_3 {strides = array<i32>} : memref<4x128xi32, #tpu.memory_space<vmem>>, vector<16xi32>,
      %swap3A_63 = arith.constant 1 : i32
      %swap3A_64 = arith.index_cast %swap3A_63 : i32 to index
      %swap3A_65 = arith.constant 112 : index
      %swap3A_66 = tpu.vector_load %arg7[%swap3A_64, %swap3A_65] {strides = array<i32>} : memref<4x128xi32, #tpu.memory_space<vmem>>, vector<16xi32>,
      tpu.vector_store %arg7[%swap3A_64, %swap3A_65], %broadcast_in_dim3A_3 {strides = array<i32>} : memref<4x128xi32, #tpu.memory_space<vmem>>, vector<16xi32>,
      %swap3A_67 = arith.constant 2 : i32
      %swap3A_68 = arith.index_cast %swap3A_67 : i32 to index
      %swap3A_69 = arith.constant 0 : index
      %swap3A_70 = tpu.vector_load %arg7[%swap3A_68, %swap3A_69] {strides = array<i32>} : memref<4x128xi32, #tpu.memory_space<vmem>>, vector<16xi32>,
      tpu.vector_store %arg7[%swap3A_68, %swap3A_69], %broadcast_in_dim3A_3 {strides = array<i32>} : memref<4x128xi32, #tpu.memory_space<vmem>>, vector<16xi32>,
      %swap3A_71 = arith.constant 2 : i32
      %swap3A_72 = arith.index_cast %swap3A_71 : i32 to index
      %swap3A_73 = arith.constant 16 : index
      %swap3A_74 = tpu.vector_load %arg7[%swap3A_72, %swap3A_73] {strides = array<i32>} : memref<4x128xi32, #tpu.memory_space<vmem>>, vector<16xi32>,
      tpu.vector_store %arg7[%swap3A_72, %swap3A_73], %broadcast_in_dim3A_3 {strides = array<i32>} : memref<4x128xi32, #tpu.memory_space<vmem>>, vector<16xi32>,
      %swap3A_75 = arith.constant 2 : i32
      %swap3A_76 = arith.index_cast %swap3A_75 : i32 to index
      %swap3A_77 = arith.constant 32 : index
      %swap3A_78 = tpu.vector_load %arg7[%swap3A_76, %swap3A_77] {strides = array<i32>} : memref<4x128xi32, #tpu.memory_space<vmem>>, vector<16xi32>,
      tpu.vector_store %arg7[%swap3A_76, %swap3A_77], %broadcast_in_dim3A_3 {strides = array<i32>} : memref<4x128xi32, #tpu.memory_space<vmem>>, vector<16xi32>,
      %swap3A_79 = arith.constant 2 : i32
      %swap3A_80 = arith.index_cast %swap3A_79 : i32 to index
      %swap3A_81 = arith.constant 48 : index
      %swap3A_82 = tpu.vector_load %arg7[%swap3A_80, %swap3A_81] {strides = array<i32>} : memref<4x128xi32, #tpu.memory_space<vmem>>, vector<16xi32>,
      tpu.vector_store %arg7[%swap3A_80, %swap3A_81], %broadcast_in_dim3A_3 {strides = array<i32>} : memref<4x128xi32, #tpu.memory_space<vmem>>, vector<16xi32>,
      %swap3A_83 = arith.constant 2 : i32
      %swap3A_84 = arith.index_cast %swap3A_83 : i32 to index
      %swap3A_85 = arith.constant 64 : index
      %swap3A_86 = tpu.vector_load %arg7[%swap3A_84, %swap3A_85] {strides = array<i32>} : memref<4x128xi32, #tpu.memory_space<vmem>>, vector<16xi32>,
      tpu.vector_store %arg7[%swap3A_84, %swap3A_85], %broadcast_in_dim3A_3 {strides = array<i32>} : memref<4x128xi32, #tpu.memory_space<vmem>>, vector<16xi32>,
      %swap3A_87 = arith.constant 2 : i32
      %swap3A_88 = arith.index_cast %swap3A_87 : i32 to index
      %swap3A_89 = arith.constant 80 : index
      %swap3A_90 = tpu.vector_load %arg7[%swap3A_88, %swap3A_89] {strides = array<i32>} : memref<4x128xi32, #tpu.memory_space<vmem>>, vector<16xi32>,
      tpu.vector_store %arg7[%swap3A_88, %swap3A_89], %broadcast_in_dim3A_3 {strides = array<i32>} : memref<4x128xi32, #tpu.memory_space<vmem>>, vector<16xi32>,
      %swap3A_91 = arith.constant 2 : i32
      %swap3A_92 = arith.index_cast %swap3A_91 : i32 to index
      %swap3A_93 = arith.constant 96 : index
      %swap3A_94 = tpu.vector_load %arg7[%swap3A_92, %swap3A_93] {strides = array<i32>} : memref<4x128xi32, #tpu.memory_space<vmem>>, vector<16xi32>,
      tpu.vector_store %arg7[%swap3A_92, %swap3A_93], %broadcast_in_dim3A_3 {strides = array<i32>} : memref<4x128xi32, #tpu.memory_space<vmem>>, vector<16xi32>,
      %swap3A_95 = arith.constant 2 : i32
      %swap3A_96 = arith.index_cast %swap3A_95 : i32 to index
      %swap3A_97 = arith.constant 112 : index
      %swap3A_98 = tpu.vector_load %arg7[%swap3A_96, %swap3A_97] {strides = array<i32>} : memref<4x128xi32, #tpu.memory_space<vmem>>, vector<16xi32>,
      tpu.vector_store %arg7[%swap3A_96, %swap3A_97], %broadcast_in_dim3A_3 {strides = array<i32>} : memref<4x128xi32, #tpu.memory_space<vmem>>, vector<16xi32>,
      %swap3A_99 = arith.constant 3 : i32
      %swap3A_100 = arith.index_cast %swap3A_99 : i32 to index
      %swap3A_101 = arith.constant 0 : index
      %swap3A_102 = tpu.vector_load %arg7[%swap3A_100, %swap3A_101] {strides = array<i32>} : memref<4x128xi32, #tpu.memory_space<vmem>>, vector<16xi32>,
      tpu.vector_store %arg7[%swap3A_100, %swap3A_101], %broadcast_in_dim3A_3 {strides = array<i32>} : memref<4x128xi32, #tpu.memory_space<vmem>>, vector<16xi32>,
      %swap3A_103 = arith.constant 3 : i32
      %swap3A_104 = arith.index_cast %swap3A_103 : i32 to index
      %swap3A_105 = arith.constant 16 : index
      %swap3A_106 = tpu.vector_load %arg7[%swap3A_104, %swap3A_105] {strides = array<i32>} : memref<4x128xi32, #tpu.memory_space<vmem>>, vector<16xi32>,
      tpu.vector_store %arg7[%swap3A_104, %swap3A_105], %broadcast_in_dim3A_3 {strides = array<i32>} : memref<4x128xi32, #tpu.memory_space<vmem>>, vector<16xi32>,
      %swap3A_107 = arith.constant 3 : i32
      %swap3A_108 = arith.index_cast %swap3A_107 : i32 to index
      %swap3A_109 = arith.constant 32 : index
      %swap3A_110 = tpu.vector_load %arg7[%swap3A_108, %swap3A_109] {strides = array<i32>} : memref<4x128xi32, #tpu.memory_space<vmem>>, vector<16xi32>,
      tpu.vector_store %arg7[%swap3A_108, %swap3A_109], %broadcast_in_dim3A_3 {strides = array<i32>} : memref<4x128xi32, #tpu.memory_space<vmem>>, vector<16xi32>,
      %swap3A_111 = arith.constant 3 : i32
      %swap3A_112 = arith.index_cast %swap3A_111 : i32 to index
      %swap3A_113 = arith.constant 48 : index
      %swap3A_114 = tpu.vector_load %arg7[%swap3A_112, %swap3A_113] {strides = array<i32>} : memref<4x128xi32, #tpu.memory_space<vmem>>, vector<16xi32>,
      tpu.vector_store %arg7[%swap3A_112, %swap3A_113], %broadcast_in_dim3A_3 {strides = array<i32>} : memref<4x128xi32, #tpu.memory_space<vmem>>, vector<16xi32>,
      %swap3A_115 = arith.constant 3 : i32
      %swap3A_116 = arith.index_cast %swap3A_115 : i32 to index
      %swap3A_117 = arith.constant 64 : index
      %swap3A_118 = tpu.vector_load %arg7[%swap3A_116, %swap3A_117] {strides = array<i32>} : memref<4x128xi32, #tpu.memory_space<vmem>>, vector<16xi32>,
      tpu.vector_store %arg7[%swap3A_116, %swap3A_117], %broadcast_in_dim3A_3 {strides = array<i32>} : memref<4x128xi32, #tpu.memory_space<vmem>>, vector<16xi32>,
      %swap3A_119 = arith.constant 3 : i32
      %swap3A_120 = arith.index_cast %swap3A_119 : i32 to index
      %swap3A_121 = arith.constant 80 : index
      %swap3A_122 = tpu.vector_load %arg7[%swap3A_120, %swap3A_121] {strides = array<i32>} : memref<4x128xi32, #tpu.memory_space<vmem>>, vector<16xi32>,
      tpu.vector_store %arg7[%swap3A_120, %swap3A_121], %broadcast_in_dim3A_3 {strides = array<i32>} : memref<4x128xi32, #tpu.memory_space<vmem>>, vector<16xi32>,
      %swap3A_123 = arith.constant 3 : i32
      %swap3A_124 = arith.index_cast %swap3A_123 : i32 to index
      %swap3A_125 = arith.constant 96 : index
      %swap3A_126 = tpu.vector_load %arg7[%swap3A_124, %swap3A_125] {strides = array<i32>} : memref<4x128xi32, #tpu.memory_space<vmem>>, vector<16xi32>,
      tpu.vector_store %arg7[%swap3A_124, %swap3A_125], %broadcast_in_dim3A_3 {strides = array<i32>} : memref<4x128xi32, #tpu.memory_space<vmem>>, vector<16xi32>,
      %swap3A_127 = arith.constant 3 : i32
      %swap3A_128 = arith.index_cast %swap3A_127 : i32 to index
      %swap3A_129 = arith.constant 112 : index
      %swap3A_130 = tpu.vector_load %arg7[%swap3A_128, %swap3A_129] {strides = array<i32>} : memref<4x128xi32, #tpu.memory_space<vmem>>, vector<16xi32>,
      tpu.vector_store %arg7[%swap3A_128, %swap3A_129], %broadcast_in_dim3A_3 {strides = array<i32>} : memref<4x128xi32, #tpu.memory_space<vmem>>, vector<16xi32>,
      %get3A = arith.constant 3136 : index
      %get3A_131 = tpu.vector_load %arg6[%get3A] {strides = array<i32>} : memref<3200xf32, #tpu.memory_space<vmem>>, vector<16xf32>,
      %get3A_132 = arith.constant 3152 : index
      %get3A_133 = tpu.vector_load %arg6[%get3A_132] {strides = array<i32>} : memref<3200xf32, #tpu.memory_space<vmem>>, vector<16xf32>,
      %convert_element_type3A_134 = arith.fptosi %get3A_133 : vector<16xf32> to vector<16xi32>
      %iota3A = tpu.iota {dimensions = array<i32: 0>} : vector<16xi32>
      %broadcast_in_dim3A_135 = arith.constant 0 : i32
      %broadcast_in_dim3A_136 = vector.broadcast %broadcast_in_dim3A_135 : i32 to vector<16xi32>
      %scan3A = arith.constant 0 : i32
      %scan3A_137 = arith.constant 196 : i32
      %scan3A_138 = arith.addi %scan3A, %scan3A_137 : i32
      %scan3A_139 = arith.constant 1 : i32
      %scan3A_140 = scf.for %scan3A_286 = %scan3A to %scan3A_138 step %scan3A_139 iter_args(%scan3A_287 = %broadcast_in_dim3A_136) -> (vector<16xi32>)  : i32 {
        %mul3A_288 = arith.constant 16 : i32
        %mul3A_289 = arith.muli %scan3A_286, %mul3A_288 : i32
        %get3A_290 = arith.index_cast %mul3A_289 : i32 to index
        %get3A_291 = tpu.vector_load %arg6[%get3A_290] {strides = array<i32>} : memref<3200xf32, #tpu.memory_space<vmem>>, vector<16xf32>,
        %mul3A_292 = arith.constant 16 : i32
        %mul3A_293 = arith.muli %scan3A_286, %mul3A_292 : i32
        %add3A_294 = vector.broadcast %mul3A_293 : i32 to vector<16xi32>
        %add3A_295 = arith.addi %iota3A, %add3A_294 : vector<16xi32>
        %gt3A = arith.cmpf ogt, %get3A_291, %get3A_131 : vector<16xf32>
        %eq3A = arith.cmpf oeq, %get3A_291, %get3A_131 : vector<16xf32>
        %le3A = arith.cmpi sle, %add3A_295, %convert_element_type3A_134 : vector<16xi32>
        %and3A = arith.andi %eq3A, %le3A : vector<16xi1>
        %or3A = arith.ori %gt3A, %and3A : vector<16xi1>
        %convert_element_type3A_296 = arith.extui %or3A : vector<16xi1> to vector<16xi32>
        %broadcast_in_dim3A_297 = arith.constant true
        %broadcast_in_dim3A_298 = vector.broadcast %broadcast_in_dim3A_297 : i1 to vector<16xi1>
        %masked_cumsum3A = tpu.scan <sum>, %convert_element_type3A_296 masked %broadcast_in_dim3A_298 : vector<16xi32>, vector<16xi1> -> vector<16xi32>
        %add3A_299 = arith.addi %scan3A_287, %masked_cumsum3A : vector<16xi32>
        %sub3A = arith.constant 1 : i32
        %sub3A_300 = vector.broadcast %sub3A : i32 to vector<16xi32>
        %sub3A_301 = arith.subi %add3A_299, %sub3A_300 : vector<16xi32>
        %jit3A_302 = arith.constant 128 : i32
        %div3A = vector.broadcast %jit3A_302 : i32 to vector<16xi32>
        %div3A_303 = arith.divsi %sub3A_301, %div3A : vector<16xi32>
        %sign3A = arith.constant 0 : i32
        %sign3A_304 = vector.broadcast %sign3A : i32 to vector<16xi32>
        %sign3A_305 = arith.cmpi sgt, %sub3A_301, %sign3A_304 : vector<16xi32>
        %sign3A_306 = arith.extui %sign3A_305 : vector<16xi1> to vector<16xi32>
        %sign3A_307 = arith.constant 0 : i32
        %sign3A_308 = vector.broadcast %sign3A_307 : i32 to vector<16xi32>
        %sign3A_309 = arith.cmpi slt, %sub3A_301, %sign3A_308 : vector<16xi32>
        %sign3A_310 = arith.extui %sign3A_309 : vector<16xi1> to vector<16xi32>
        %sign3A_311 = arith.subi %sign3A_306, %sign3A_310 : vector<16xi32>
        %sign3A_312 = arith.constant 0 : i32
        %sign3A_313 = arith.cmpi sgt, %jit3A_302, %sign3A_312 : i32
        %sign3A_314 = arith.extui %sign3A_313 : i1 to i32
        %sign3A_315 = arith.constant 0 : i32
        %sign3A_316 = arith.cmpi slt, %jit3A_302, %sign3A_315 : i32
        %sign3A_317 = arith.extui %sign3A_316 : i1 to i32
        %sign3A_318 = arith.subi %sign3A_314, %sign3A_317 : i32
        %ne3A = vector.broadcast %sign3A_318 : i32 to vector<16xi32>
        %ne3A_319 = arith.cmpi ne, %sign3A_311, %ne3A : vector<16xi32>
        %rem3A = vector.broadcast %jit3A_302 : i32 to vector<16xi32>
        %rem3A_320 = arith.remsi %sub3A_301, %rem3A : vector<16xi32>
        %ne3A_321 = arith.constant 0 : i32
        %ne3A_322 = vector.broadcast %ne3A_321 : i32 to vector<16xi32>
        %ne3A_323 = arith.cmpi ne, %rem3A_320, %ne3A_322 : vector<16xi32>
        %and3A_324 = arith.andi %ne3A_319, %ne3A_323 : vector<16xi1>
        %sub3A_325 = arith.constant 1 : i32
        %sub3A_326 = vector.broadcast %sub3A_325 : i32 to vector<16xi32>
        %sub3A_327 = arith.subi %div3A_303, %sub3A_326 : vector<16xi32>
        %select_n3A_328 = arith.select %and3A_324, %sub3A_327, %div3A_303 : vector<16xi1>, vector<16xi32>
        %jit3A_329 = arith.constant 128 : i32
        %eq3A_330 = arith.constant 0 : i32
        %eq3A_331 = arith.cmpi eq, %jit3A_329, %eq3A_330 : i32
        %jit3A_332 = arith.constant 1 : i32
        %select_n3A_333 = arith.select %eq3A_331, %jit3A_332, %jit3A_329 : i32
        %rem3A_334 = vector.broadcast %select_n3A_333 : i32 to vector<16xi32>
        %rem3A_335 = arith.remsi %sub3A_301, %rem3A_334 : vector<16xi32>
        %ne3A_336 = arith.constant 0 : i32
        %ne3A_337 = vector.broadcast %ne3A_336 : i32 to vector<16xi32>
        %ne3A_338 = arith.cmpi ne, %rem3A_335, %ne3A_337 : vector<16xi32>
        %lt3A_339 = arith.constant 0 : i32
        %lt3A_340 = vector.broadcast %lt3A_339 : i32 to vector<16xi32>
        %lt3A_341 = arith.cmpi slt, %rem3A_335, %lt3A_340 : vector<16xi32>
        %lt3A_342 = arith.constant 0 : i32
        %lt3A_343 = arith.cmpi slt, %select_n3A_333, %lt3A_342 : i32
        %ne3A_344 = vector.broadcast %lt3A_343 : i1 to vector<16xi1>
        %ne3A_345 = vector.broadcast %ne3A_344 : vector<16xi1> to vector<16xi1>
        %ne3A_346 = arith.xori %lt3A_341, %ne3A_345 : vector<16xi1>
        %and3A_347 = arith.andi %ne3A_346, %ne3A_338 : vector<16xi1>
        %add3A_348 = vector.broadcast %select_n3A_333 : i32 to vector<16xi32>
        %add3A_349 = arith.addi %rem3A_335, %add3A_348 : vector<16xi32>
        %select_n3A_350 = arith.select %and3A_347, %add3A_349, %rem3A_335 : vector<16xi1>, vector<16xi32>
        %mul3A_351 = arith.constant 3136 : i32
        %mul3A_352 = arith.muli %add3A, %mul3A_351 : i32
        %add3A_353 = vector.broadcast %mul3A_352 : i32 to vector<16xi32>
        %add3A_354 = arith.addi %add3A_295, %add3A_353 : vector<16xi32>
        tpu.vector_store_idx %arg7[%select_n3A_328, %select_n3A_350], %add3A_354 masked %or3A : memref<4x128xi32, #tpu.memory_space<vmem>>[vector<16xi32>, vector<16xi32>], vector<16xi32>, vector<16xi1>
        %all_reduce_population_count3A = tpu.all_reduce %or3A {dim = 0 : i64, kind = #tpu.reduction_kind<sum>} : vector<16xi1> -> vector<16xi32>
        %add3A_355 = arith.addi %scan3A_287, %all_reduce_population_count3A : vector<16xi32>
        scf.yield %add3A_355 : vector<16xi32>
      }
      %scan3A_141 = arith.constant 196 : i32
      %dma_start3A = arith.constant 0 : i32
      %dma_start3A_142 = arith.constant 0 : i32
      %dma_start3A_143 = arith.constant 0 : i32
      %dma_start3A_144 = tpu.memref_slice %arg8[%dma_start3A_142, %dma_start3A_143] : memref<512x192xf32, #tpu.memory_space<vmem>> -> memref<128x192xf32, #tpu.memory_space<vmem>>
      %dma_start3A_145 = arith.constant 0 : i32
      %dma_start3A_146 = tpu.memref_slice %arg7[%dma_start3A, %dma_start3A_145] : memref<4x128xi32, #tpu.memory_space<vmem>> -> memref<1x128xi32, #tpu.memory_space<vmem>>
      %dma_start3A_147 = tpu.memref_squeeze %dma_start3A_146 : memref<1x128xi32, #tpu.memory_space<vmem>> -> memref<128xi32, #tpu.memory_space<vmem>>
      %dma_start3A_148 = arith.constant 0 : i32
      %dma_start3A_149 = arith.constant 0 : i32
      %dma_start3A_150 = tpu.memref_slice %arg3[%dma_start3A_148, %dma_start3A_149] : memref<12544x192xf32, #tpu.memory_space<hbm>> -> memref<12544x192xf32, #tpu.memory_space<hbm>>
      tpu.enqueue_indirect_dma source(%dma_start3A_150 : memref<12544x192xf32, #tpu.memory_space<hbm>>) target(%dma_start3A_144 : memref<128x192xf32, #tpu.memory_space<vmem>>) offsets(%dma_start3A_147 : memref<128xi32, #tpu.memory_space<vmem>>) semaphore(%arg9 : memref<!tpu.dma_semaphore, #tpu.memory_space<semaphore_mem>>)
      %dma_wait3A = arith.constant 0 : i32
      %dma_wait3A_151 = arith.constant 0 : i32
      %dma_wait3A_152 = arith.constant 0 : i32
      %dma_wait3A_153 = tpu.memref_slice %arg8[%dma_wait3A_151, %dma_wait3A_152] : memref<512x192xf32, #tpu.memory_space<vmem>> -> memref<128x192xf32, #tpu.memory_space<vmem>>
      %dma_wait3A_154 = arith.constant 0 : i32
      %dma_wait3A_155 = tpu.memref_slice %arg7[%dma_wait3A, %dma_wait3A_154] : memref<4x128xi32, #tpu.memory_space<vmem>> -> memref<1x128xi32, #tpu.memory_space<vmem>>
      %dma_wait3A_156 = tpu.memref_squeeze %dma_wait3A_155 : memref<1x128xi32, #tpu.memory_space<vmem>> -> memref<128xi32, #tpu.memory_space<vmem>>
      %dma_wait3A_157 = arith.constant 0 : i32
      %dma_wait3A_158 = arith.constant 0 : i32
      %dma_wait3A_159 = tpu.memref_slice %arg3[%dma_wait3A_157, %dma_wait3A_158] : memref<12544x192xf32, #tpu.memory_space<hbm>> -> memref<12544x192xf32, #tpu.memory_space<hbm>>
      tpu.wait_indirect_dma semaphore(%arg9 : memref<!tpu.dma_semaphore, #tpu.memory_space<semaphore_mem>>) src(%dma_wait3A_159 : memref<12544x192xf32, #tpu.memory_space<hbm>>) dst(%dma_wait3A_153 : memref<128x192xf32, #tpu.memory_space<vmem>>)
      %dma_start3A_160 = arith.constant 1 : i32
      %dma_start3A_161 = arith.constant 128 : i32
      %dma_start3A_162 = arith.constant 0 : i32
      %dma_start3A_163 = tpu.memref_slice %arg8[%dma_start3A_161, %dma_start3A_162] : memref<512x192xf32, #tpu.memory_space<vmem>> -> memref<128x192xf32, #tpu.memory_space<vmem>>
      %dma_start3A_164 = arith.constant 0 : i32
      %dma_start3A_165 = tpu.memref_slice %arg7[%dma_start3A_160, %dma_start3A_164] : memref<4x128xi32, #tpu.memory_space<vmem>> -> memref<1x128xi32, #tpu.memory_space<vmem>>
      %dma_start3A_166 = tpu.memref_squeeze %dma_start3A_165 : memref<1x128xi32, #tpu.memory_space<vmem>> -> memref<128xi32, #tpu.memory_space<vmem>>
      %dma_start3A_167 = arith.constant 0 : i32
      %dma_start3A_168 = arith.constant 0 : i32
      %dma_start3A_169 = tpu.memref_slice %arg3[%dma_start3A_167, %dma_start3A_168] : memref<12544x192xf32, #tpu.memory_space<hbm>> -> memref<12544x192xf32, #tpu.memory_space<hbm>>
      tpu.enqueue_indirect_dma source(%dma_start3A_169 : memref<12544x192xf32, #tpu.memory_space<hbm>>) target(%dma_start3A_163 : memref<128x192xf32, #tpu.memory_space<vmem>>) offsets(%dma_start3A_166 : memref<128xi32, #tpu.memory_space<vmem>>) semaphore(%arg9 : memref<!tpu.dma_semaphore, #tpu.memory_space<semaphore_mem>>)
      %dma_wait3A_170 = arith.constant 1 : i32
      %dma_wait3A_171 = arith.constant 128 : i32
      %dma_wait3A_172 = arith.constant 0 : i32
      %dma_wait3A_173 = tpu.memref_slice %arg8[%dma_wait3A_171, %dma_wait3A_172] : memref<512x192xf32, #tpu.memory_space<vmem>> -> memref<128x192xf32, #tpu.memory_space<vmem>>
      %dma_wait3A_174 = arith.constant 0 : i32
      %dma_wait3A_175 = tpu.memref_slice %arg7[%dma_wait3A_170, %dma_wait3A_174] : memref<4x128xi32, #tpu.memory_space<vmem>> -> memref<1x128xi32, #tpu.memory_space<vmem>>
      %dma_wait3A_176 = tpu.memref_squeeze %dma_wait3A_175 : memref<1x128xi32, #tpu.memory_space<vmem>> -> memref<128xi32, #tpu.memory_space<vmem>>
      %dma_wait3A_177 = arith.constant 0 : i32
      %dma_wait3A_178 = arith.constant 0 : i32
      %dma_wait3A_179 = tpu.memref_slice %arg3[%dma_wait3A_177, %dma_wait3A_178] : memref<12544x192xf32, #tpu.memory_space<hbm>> -> memref<12544x192xf32, #tpu.memory_space<hbm>>
      tpu.wait_indirect_dma semaphore(%arg9 : memref<!tpu.dma_semaphore, #tpu.memory_space<semaphore_mem>>) src(%dma_wait3A_179 : memref<12544x192xf32, #tpu.memory_space<hbm>>) dst(%dma_wait3A_173 : memref<128x192xf32, #tpu.memory_space<vmem>>)
      %dma_start3A_180 = arith.constant 2 : i32
      %dma_start3A_181 = arith.constant 256 : i32
      %dma_start3A_182 = arith.constant 0 : i32
      %dma_start3A_183 = tpu.memref_slice %arg8[%dma_start3A_181, %dma_start3A_182] : memref<512x192xf32, #tpu.memory_space<vmem>> -> memref<128x192xf32, #tpu.memory_space<vmem>>
      %dma_start3A_184 = arith.constant 0 : i32
      %dma_start3A_185 = tpu.memref_slice %arg7[%dma_start3A_180, %dma_start3A_184] : memref<4x128xi32, #tpu.memory_space<vmem>> -> memref<1x128xi32, #tpu.memory_space<vmem>>
      %dma_start3A_186 = tpu.memref_squeeze %dma_start3A_185 : memref<1x128xi32, #tpu.memory_space<vmem>> -> memref<128xi32, #tpu.memory_space<vmem>>
      %dma_start3A_187 = arith.constant 0 : i32
      %dma_start3A_188 = arith.constant 0 : i32
      %dma_start3A_189 = tpu.memref_slice %arg3[%dma_start3A_187, %dma_start3A_188] : memref<12544x192xf32, #tpu.memory_space<hbm>> -> memref<12544x192xf32, #tpu.memory_space<hbm>>
      tpu.enqueue_indirect_dma source(%dma_start3A_189 : memref<12544x192xf32, #tpu.memory_space<hbm>>) target(%dma_start3A_183 : memref<128x192xf32, #tpu.memory_space<vmem>>) offsets(%dma_start3A_186 : memref<128xi32, #tpu.memory_space<vmem>>) semaphore(%arg9 : memref<!tpu.dma_semaphore, #tpu.memory_space<semaphore_mem>>)
      %dma_wait3A_190 = arith.constant 2 : i32
      %dma_wait3A_191 = arith.constant 256 : i32
      %dma_wait3A_192 = arith.constant 0 : i32
      %dma_wait3A_193 = tpu.memref_slice %arg8[%dma_wait3A_191, %dma_wait3A_192] : memref<512x192xf32, #tpu.memory_space<vmem>> -> memref<128x192xf32, #tpu.memory_space<vmem>>
      %dma_wait3A_194 = arith.constant 0 : i32
      %dma_wait3A_195 = tpu.memref_slice %arg7[%dma_wait3A_190, %dma_wait3A_194] : memref<4x128xi32, #tpu.memory_space<vmem>> -> memref<1x128xi32, #tpu.memory_space<vmem>>
      %dma_wait3A_196 = tpu.memref_squeeze %dma_wait3A_195 : memref<1x128xi32, #tpu.memory_space<vmem>> -> memref<128xi32, #tpu.memory_space<vmem>>
      %dma_wait3A_197 = arith.constant 0 : i32
      %dma_wait3A_198 = arith.constant 0 : i32
      %dma_wait3A_199 = tpu.memref_slice %arg3[%dma_wait3A_197, %dma_wait3A_198] : memref<12544x192xf32, #tpu.memory_space<hbm>> -> memref<12544x192xf32, #tpu.memory_space<hbm>>
      tpu.wait_indirect_dma semaphore(%arg9 : memref<!tpu.dma_semaphore, #tpu.memory_space<semaphore_mem>>) src(%dma_wait3A_199 : memref<12544x192xf32, #tpu.memory_space<hbm>>) dst(%dma_wait3A_193 : memref<128x192xf32, #tpu.memory_space<vmem>>)
      %dma_start3A_200 = arith.constant 3 : i32
      %dma_start3A_201 = arith.constant 384 : i32
      %dma_start3A_202 = arith.constant 0 : i32
      %dma_start3A_203 = tpu.memref_slice %arg8[%dma_start3A_201, %dma_start3A_202] : memref<512x192xf32, #tpu.memory_space<vmem>> -> memref<128x192xf32, #tpu.memory_space<vmem>>
      %dma_start3A_204 = arith.constant 0 : i32
      %dma_start3A_205 = tpu.memref_slice %arg7[%dma_start3A_200, %dma_start3A_204] : memref<4x128xi32, #tpu.memory_space<vmem>> -> memref<1x128xi32, #tpu.memory_space<vmem>>
      %dma_start3A_206 = tpu.memref_squeeze %dma_start3A_205 : memref<1x128xi32, #tpu.memory_space<vmem>> -> memref<128xi32, #tpu.memory_space<vmem>>
      %dma_start3A_207 = arith.constant 0 : i32
      %dma_start3A_208 = arith.constant 0 : i32
      %dma_start3A_209 = tpu.memref_slice %arg3[%dma_start3A_207, %dma_start3A_208] : memref<12544x192xf32, #tpu.memory_space<hbm>> -> memref<12544x192xf32, #tpu.memory_space<hbm>>
      tpu.enqueue_indirect_dma source(%dma_start3A_209 : memref<12544x192xf32, #tpu.memory_space<hbm>>) target(%dma_start3A_203 : memref<128x192xf32, #tpu.memory_space<vmem>>) offsets(%dma_start3A_206 : memref<128xi32, #tpu.memory_space<vmem>>) semaphore(%arg9 : memref<!tpu.dma_semaphore, #tpu.memory_space<semaphore_mem>>)
      %dma_wait3A_210 = arith.constant 3 : i32
      %dma_wait3A_211 = arith.constant 384 : i32
      %dma_wait3A_212 = arith.constant 0 : i32
      %dma_wait3A_213 = tpu.memref_slice %arg8[%dma_wait3A_211, %dma_wait3A_212] : memref<512x192xf32, #tpu.memory_space<vmem>> -> memref<128x192xf32, #tpu.memory_space<vmem>>
      %dma_wait3A_214 = arith.constant 0 : i32
      %dma_wait3A_215 = tpu.memref_slice %arg7[%dma_wait3A_210, %dma_wait3A_214] : memref<4x128xi32, #tpu.memory_space<vmem>> -> memref<1x128xi32, #tpu.memory_space<vmem>>
      %dma_wait3A_216 = tpu.memref_squeeze %dma_wait3A_215 : memref<1x128xi32, #tpu.memory_space<vmem>> -> memref<128xi32, #tpu.memory_space<vmem>>
      %dma_wait3A_217 = arith.constant 0 : i32
      %dma_wait3A_218 = arith.constant 0 : i32
      %dma_wait3A_219 = tpu.memref_slice %arg3[%dma_wait3A_217, %dma_wait3A_218] : memref<12544x192xf32, #tpu.memory_space<hbm>> -> memref<12544x192xf32, #tpu.memory_space<hbm>>
      tpu.wait_indirect_dma semaphore(%arg9 : memref<!tpu.dma_semaphore, #tpu.memory_space<semaphore_mem>>) src(%dma_wait3A_219 : memref<12544x192xf32, #tpu.memory_space<hbm>>) dst(%dma_wait3A_213 : memref<128x192xf32, #tpu.memory_space<vmem>>)
      "tpu.region"() ({
        %run_scoped3A = tpu.sem_alloc : memref<!tpu.dma_semaphore, #tpu.memory_space<semaphore_mem>>
        %dma_start3A_286 = arith.constant 0 : i32
        %dma_start3A_287 = arith.constant 0 : i32
        %dma_start3A_288 = tpu.memref_slice %arg5[%add3A, %dma_start3A_286, %dma_start3A_287] : memref<4x512x192xf32, #tpu.memory_space<hbm>> -> memref<1x512x192xf32, #tpu.memory_space<hbm>>
        %dma_start3A_289 = tpu.memref_squeeze %dma_start3A_288 : memref<1x512x192xf32, #tpu.memory_space<hbm>> -> memref<512x192xf32, #tpu.memory_space<hbm>>
        %dma_start3A_290 = arith.constant 0 : i32
        %dma_start3A_291 = arith.constant 0 : i32
        %dma_start3A_292 = tpu.memref_slice %arg5[%add3A, %dma_start3A_290, %dma_start3A_291] : memref<4x512x192xf32, #tpu.memory_space<hbm>> -> memref<1x512x192xf32, #tpu.memory_space<hbm>>
        %dma_start3A_293 = tpu.memref_squeeze %dma_start3A_292 : memref<1x512x192xf32, #tpu.memory_space<hbm>> -> memref<512x192xf32, #tpu.memory_space<hbm>>
        tpu.enqueue_dma source(%arg8 : memref<512x192xf32, #tpu.memory_space<vmem>>) target(%dma_start3A_293 : memref<512x192xf32, #tpu.memory_space<hbm>>) target_semaphore(%run_scoped3A : memref<!tpu.dma_semaphore, #tpu.memory_space<semaphore_mem>>)
        %dma_wait3A_294 = arith.constant 0 : i32
        %dma_wait3A_295 = arith.constant 0 : i32
        %dma_wait3A_296 = tpu.memref_slice %arg5[%add3A, %dma_wait3A_294, %dma_wait3A_295] : memref<4x512x192xf32, #tpu.memory_space<hbm>> -> memref<1x512x192xf32, #tpu.memory_space<hbm>>
        %dma_wait3A_297 = tpu.memref_squeeze %dma_wait3A_296 : memref<1x512x192xf32, #tpu.memory_space<hbm>> -> memref<512x192xf32, #tpu.memory_space<hbm>>
        %dma_wait3A_298 = arith.constant 0 : i32
        %dma_wait3A_299 = arith.constant 0 : i32
        %dma_wait3A_300 = tpu.memref_slice %arg5[%add3A, %dma_wait3A_298, %dma_wait3A_299] : memref<4x512x192xf32, #tpu.memory_space<hbm>> -> memref<1x512x192xf32, #tpu.memory_space<hbm>>
        %dma_wait3A_301 = tpu.memref_squeeze %dma_wait3A_300 : memref<1x512x192xf32, #tpu.memory_space<hbm>> -> memref<512x192xf32, #tpu.memory_space<hbm>>
        tpu.wait_dma2 semaphore(%run_scoped3A : memref<!tpu.dma_semaphore, #tpu.memory_space<semaphore_mem>>) src(%arg8 : memref<512x192xf32, #tpu.memory_space<vmem>>) dst(%dma_wait3A_301 : memref<512x192xf32, #tpu.memory_space<hbm>>)
        tpu.yield
      }) : () -> ()
      %iota3A_220 = tpu.iota {dimensions = array<i32: 0>} : vector<16xi32>
      %get3A_221 = arith.constant 3 : i32
      %get3A_222 = arith.index_cast %get3A_221 : i32 to index
      %get3A_223 = arith.constant 64 : index
      %get3A_224 = tpu.vector_load %arg7[%get3A_222, %get3A_223] {strides = array<i32>} : memref<4x128xi32, #tpu.memory_space<vmem>>, vector<16xi32>,
      %add3A_225 = arith.constant 64 : i32
      %add3A_226 = vector.broadcast %add3A_225 : i32 to vector<16xi32>
      %add3A_227 = arith.addi %iota3A_220, %add3A_226 : vector<16xi32>
      %ge3A = arith.constant 66 : i32
      %ge3A_228 = vector.broadcast %ge3A : i32 to vector<16xi32>
      %ge3A_229 = arith.cmpi sge, %add3A_227, %ge3A_228 : vector<16xi32>
      %jit3A = arith.constant 12544 : i32
      %broadcast_in_dim3A_230 = vector.broadcast %jit3A : i32 to vector<16xi32>
      %select_n3A = arith.select %ge3A_229, %broadcast_in_dim3A_230, %get3A_224 : vector<16xi1>, vector<16xi32>
      %swap3A_231 = arith.constant 3 : i32
      %swap3A_232 = arith.index_cast %swap3A_231 : i32 to index
      %swap3A_233 = arith.constant 64 : index
      %swap3A_234 = tpu.vector_load %arg7[%swap3A_232, %swap3A_233] {strides = array<i32>} : memref<4x128xi32, #tpu.memory_space<vmem>>, vector<16xi32>,
      tpu.vector_store %arg7[%swap3A_232, %swap3A_233], %select_n3A {strides = array<i32>} : memref<4x128xi32, #tpu.memory_space<vmem>>, vector<16xi32>,
      %get3A_235 = arith.constant 3 : i32
      %get3A_236 = arith.index_cast %get3A_235 : i32 to index
      %get3A_237 = arith.constant 80 : index
      %get3A_238 = tpu.vector_load %arg7[%get3A_236, %get3A_237] {strides = array<i32>} : memref<4x128xi32, #tpu.memory_space<vmem>>, vector<16xi32>,
      %add3A_239 = arith.constant 80 : i32
      %add3A_240 = vector.broadcast %add3A_239 : i32 to vector<16xi32>
      %add3A_241 = arith.addi %iota3A_220, %add3A_240 : vector<16xi32>
      %ge3A_242 = arith.constant 66 : i32
      %ge3A_243 = vector.broadcast %ge3A_242 : i32 to vector<16xi32>
      %ge3A_244 = arith.cmpi sge, %add3A_241, %ge3A_243 : vector<16xi32>
      %jit3A_245 = arith.constant 12544 : i32
      %broadcast_in_dim3A_246 = vector.broadcast %jit3A_245 : i32 to vector<16xi32>
      %select_n3A_247 = arith.select %ge3A_244, %broadcast_in_dim3A_246, %get3A_238 : vector<16xi1>, vector<16xi32>
      %swap3A_248 = arith.constant 3 : i32
      %swap3A_249 = arith.index_cast %swap3A_248 : i32 to index
      %swap3A_250 = arith.constant 80 : index
      %swap3A_251 = tpu.vector_load %arg7[%swap3A_249, %swap3A_250] {strides = array<i32>} : memref<4x128xi32, #tpu.memory_space<vmem>>, vector<16xi32>,
      tpu.vector_store %arg7[%swap3A_249, %swap3A_250], %select_n3A_247 {strides = array<i32>} : memref<4x128xi32, #tpu.memory_space<vmem>>, vector<16xi32>,
      %get3A_252 = arith.constant 3 : i32
      %get3A_253 = arith.index_cast %get3A_252 : i32 to index
      %get3A_254 = arith.constant 96 : index
      %get3A_255 = tpu.vector_load %arg7[%get3A_253, %get3A_254] {strides = array<i32>} : memref<4x128xi32, #tpu.memory_space<vmem>>, vector<16xi32>,
      %add3A_256 = arith.constant 96 : i32
      %add3A_257 = vector.broadcast %add3A_256 : i32 to vector<16xi32>
      %add3A_258 = arith.addi %iota3A_220, %add3A_257 : vector<16xi32>
      %ge3A_259 = arith.constant 66 : i32
      %ge3A_260 = vector.broadcast %ge3A_259 : i32 to vector<16xi32>
      %ge3A_261 = arith.cmpi sge, %add3A_258, %ge3A_260 : vector<16xi32>
      %jit3A_262 = arith.constant 12544 : i32
      %broadcast_in_dim3A_263 = vector.broadcast %jit3A_262 : i32 to vector<16xi32>
      %select_n3A_264 = arith.select %ge3A_261, %broadcast_in_dim3A_263, %get3A_255 : vector<16xi1>, vector<16xi32>
      %swap3A_265 = arith.constant 3 : i32
      %swap3A_266 = arith.index_cast %swap3A_265 : i32 to index
      %swap3A_267 = arith.constant 96 : index
      %swap3A_268 = tpu.vector_load %arg7[%swap3A_266, %swap3A_267] {strides = array<i32>} : memref<4x128xi32, #tpu.memory_space<vmem>>, vector<16xi32>,
      tpu.vector_store %arg7[%swap3A_266, %swap3A_267], %select_n3A_264 {strides = array<i32>} : memref<4x128xi32, #tpu.memory_space<vmem>>, vector<16xi32>,
      %get3A_269 = arith.constant 3 : i32
      %get3A_270 = arith.index_cast %get3A_269 : i32 to index
      %get3A_271 = arith.constant 112 : index
      %get3A_272 = tpu.vector_load %arg7[%get3A_270, %get3A_271] {strides = array<i32>} : memref<4x128xi32, #tpu.memory_space<vmem>>, vector<16xi32>,
      %add3A_273 = arith.constant 112 : i32
      %add3A_274 = vector.broadcast %add3A_273 : i32 to vector<16xi32>
      %add3A_275 = arith.addi %iota3A_220, %add3A_274 : vector<16xi32>
      %ge3A_276 = arith.constant 66 : i32
      %ge3A_277 = vector.broadcast %ge3A_276 : i32 to vector<16xi32>
      %ge3A_278 = arith.cmpi sge, %add3A_275, %ge3A_277 : vector<16xi32>
      %jit3A_279 = arith.constant 12544 : i32
      %broadcast_in_dim3A_280 = vector.broadcast %jit3A_279 : i32 to vector<16xi32>
      %select_n3A_281 = arith.select %ge3A_278, %broadcast_in_dim3A_280, %get3A_272 : vector<16xi1>, vector<16xi32>
      %swap3A_282 = arith.constant 3 : i32
      %swap3A_283 = arith.index_cast %swap3A_282 : i32 to index
      %swap3A_284 = arith.constant 112 : index
      %swap3A_285 = tpu.vector_load %arg7[%swap3A_283, %swap3A_284] {strides = array<i32>} : memref<4x128xi32, #tpu.memory_space<vmem>>, vector<16xi32>,
      tpu.vector_store %arg7[%swap3A_283, %swap3A_284], %select_n3A_281 {strides = array<i32>} : memref<4x128xi32, #tpu.memory_space<vmem>>, vector<16xi32>,
      "tpu.region"() ({
        %run_scoped3A = tpu.sem_alloc : memref<!tpu.dma_semaphore, #tpu.memory_space<semaphore_mem>>
        %dma_start3A_286 = arith.constant 0 : i32
        %dma_start3A_287 = arith.constant 0 : i32
        %dma_start3A_288 = tpu.memref_slice %arg4[%add3A, %dma_start3A_286, %dma_start3A_287] : memref<4x4x128xi32, #tpu.memory_space<hbm>> -> memref<1x4x128xi32, #tpu.memory_space<hbm>>
        %dma_start3A_289 = tpu.memref_squeeze %dma_start3A_288 : memref<1x4x128xi32, #tpu.memory_space<hbm>> -> memref<4x128xi32, #tpu.memory_space<hbm>>
        %dma_start3A_290 = arith.constant 0 : i32
        %dma_start3A_291 = arith.constant 0 : i32
        %dma_start3A_292 = tpu.memref_slice %arg4[%add3A, %dma_start3A_290, %dma_start3A_291] : memref<4x4x128xi32, #tpu.memory_space<hbm>> -> memref<1x4x128xi32, #tpu.memory_space<hbm>>
        %dma_start3A_293 = tpu.memref_squeeze %dma_start3A_292 : memref<1x4x128xi32, #tpu.memory_space<hbm>> -> memref<4x128xi32, #tpu.memory_space<hbm>>
        tpu.enqueue_dma source(%arg7 : memref<4x128xi32, #tpu.memory_space<vmem>>) target(%dma_start3A_293 : memref<4x128xi32, #tpu.memory_space<hbm>>) target_semaphore(%run_scoped3A : memref<!tpu.dma_semaphore, #tpu.memory_space<semaphore_mem>>)
        %dma_wait3A_294 = arith.constant 0 : i32
        %dma_wait3A_295 = arith.constant 0 : i32
        %dma_wait3A_296 = tpu.memref_slice %arg4[%add3A, %dma_wait3A_294, %dma_wait3A_295] : memref<4x4x128xi32, #tpu.memory_space<hbm>> -> memref<1x4x128xi32, #tpu.memory_space<hbm>>
        %dma_wait3A_297 = tpu.memref_squeeze %dma_wait3A_296 : memref<1x4x128xi32, #tpu.memory_space<hbm>> -> memref<4x128xi32, #tpu.memory_space<hbm>>
        %dma_wait3A_298 = arith.constant 0 : i32
        %dma_wait3A_299 = arith.constant 0 : i32
        %dma_wait3A_300 = tpu.memref_slice %arg4[%add3A, %dma_wait3A_298, %dma_wait3A_299] : memref<4x4x128xi32, #tpu.memory_space<hbm>> -> memref<1x4x128xi32, #tpu.memory_space<hbm>>
        %dma_wait3A_301 = tpu.memref_squeeze %dma_wait3A_300 : memref<1x4x128xi32, #tpu.memory_space<hbm>> -> memref<4x128xi32, #tpu.memory_space<hbm>>
        tpu.wait_dma2 semaphore(%run_scoped3A : memref<!tpu.dma_semaphore, #tpu.memory_space<semaphore_mem>>) src(%arg7 : memref<4x128xi32, #tpu.memory_space<vmem>>) dst(%dma_wait3A_301 : memref<4x128xi32, #tpu.memory_space<hbm>>)
        tpu.yield
      }) : () -> ()
    } else {
    }
    return
  }
}

#map = affine_map<(d0, d1) -> (0, 0)>
#map1 = affine_map<(d0, d1) -> (0)>
module attributes {stable_mosaic.version = 14 : i64} {
  func.func @_sc_ksample_body(%arg0: i32, %arg1: i32, %arg2: memref<12544x192xf32, #tpu.memory_space<hbm>>, %arg3: memref<2048xi32, #tpu.memory_space<hbm>>, %arg4: memref<2048x192xf32, #tpu.memory_space<hbm>>, %arg5: memref<64xi32, #tpu.memory_space<vmem>>, %arg6: memref<64x192xf32, #tpu.memory_space<vmem>>, %arg7: memref<!tpu.dma_semaphore, #tpu.memory_space<semaphore_mem>>) attributes {dimension_semantics = [#tpu.dimension_semantics<core_parallel>, #tpu.dimension_semantics<subcore_parallel>], iteration_bounds = array<i64: 2, 16>, scalar_prefetch = 0 : i64, scratch_operands = 3 : i64, tpu.core_type = #tpu.core_type<sc_vector_subcore>, window_params = [{transform_indices = #map}, {transform_indices = #map1}, {transform_indices = #map}]} {
    %mul3A = arith.constant 16 : i32
    %mul3A_0 = arith.muli %arg0, %mul3A : i32
    %add3A = arith.addi %mul3A_0, %arg1 : i32
    %mul3A_1 = arith.constant 64 : i32
    %mul3A_2 = arith.muli %add3A, %mul3A_1 : i32
    "tpu.region"() ({
      %run_scoped3A = tpu.sem_alloc : memref<!tpu.dma_semaphore, #tpu.memory_space<semaphore_mem>>
      %dma_start3A_7 = tpu.memref_slice %arg3[%mul3A_2] : memref<2048xi32, #tpu.memory_space<hbm>> -> memref<64xi32, #tpu.memory_space<hbm>>
      %dma_start3A_8 = tpu.memref_slice %arg3[%mul3A_2] : memref<2048xi32, #tpu.memory_space<hbm>> -> memref<64xi32, #tpu.memory_space<hbm>>
      tpu.enqueue_dma source(%dma_start3A_8 : memref<64xi32, #tpu.memory_space<hbm>>) target(%arg5 : memref<64xi32, #tpu.memory_space<vmem>>) target_semaphore(%run_scoped3A : memref<!tpu.dma_semaphore, #tpu.memory_space<semaphore_mem>>)
      %dma_wait3A_9 = tpu.memref_slice %arg3[%mul3A_2] : memref<2048xi32, #tpu.memory_space<hbm>> -> memref<64xi32, #tpu.memory_space<hbm>>
      %dma_wait3A_10 = tpu.memref_slice %arg3[%mul3A_2] : memref<2048xi32, #tpu.memory_space<hbm>> -> memref<64xi32, #tpu.memory_space<hbm>>
      tpu.wait_dma2 semaphore(%run_scoped3A : memref<!tpu.dma_semaphore, #tpu.memory_space<semaphore_mem>>) src(%dma_wait3A_10 : memref<64xi32, #tpu.memory_space<hbm>>) dst(%arg5 : memref<64xi32, #tpu.memory_space<vmem>>)
      tpu.yield
    }) : () -> ()
    %dma_start3A = arith.constant 0 : i32
    %dma_start3A_3 = arith.constant 0 : i32
    %dma_start3A_4 = tpu.memref_slice %arg2[%dma_start3A, %dma_start3A_3] : memref<12544x192xf32, #tpu.memory_space<hbm>> -> memref<12544x192xf32, #tpu.memory_space<hbm>>
    tpu.enqueue_indirect_dma source(%dma_start3A_4 : memref<12544x192xf32, #tpu.memory_space<hbm>>) target(%arg6 : memref<64x192xf32, #tpu.memory_space<vmem>>) offsets(%arg5 : memref<64xi32, #tpu.memory_space<vmem>>) semaphore(%arg7 : memref<!tpu.dma_semaphore, #tpu.memory_space<semaphore_mem>>)
    %dma_wait3A = arith.constant 0 : i32
    %dma_wait3A_5 = arith.constant 0 : i32
    %dma_wait3A_6 = tpu.memref_slice %arg2[%dma_wait3A, %dma_wait3A_5] : memref<12544x192xf32, #tpu.memory_space<hbm>> -> memref<12544x192xf32, #tpu.memory_space<hbm>>
    tpu.wait_indirect_dma semaphore(%arg7 : memref<!tpu.dma_semaphore, #tpu.memory_space<semaphore_mem>>) src(%dma_wait3A_6 : memref<12544x192xf32, #tpu.memory_space<hbm>>) dst(%arg6 : memref<64x192xf32, #tpu.memory_space<vmem>>)
    "tpu.region"() ({
      %run_scoped3A = tpu.sem_alloc : memref<!tpu.dma_semaphore, #tpu.memory_space<semaphore_mem>>
      %dma_start3A_7 = arith.constant 0 : i32
      %dma_start3A_8 = tpu.memref_slice %arg4[%mul3A_2, %dma_start3A_7] : memref<2048x192xf32, #tpu.memory_space<hbm>> -> memref<64x192xf32, #tpu.memory_space<hbm>>
      %dma_start3A_9 = arith.constant 0 : i32
      %dma_start3A_10 = tpu.memref_slice %arg4[%mul3A_2, %dma_start3A_9] : memref<2048x192xf32, #tpu.memory_space<hbm>> -> memref<64x192xf32, #tpu.memory_space<hbm>>
      tpu.enqueue_dma source(%arg6 : memref<64x192xf32, #tpu.memory_space<vmem>>) target(%dma_start3A_10 : memref<64x192xf32, #tpu.memory_space<hbm>>) target_semaphore(%run_scoped3A : memref<!tpu.dma_semaphore, #tpu.memory_space<semaphore_mem>>)
      %dma_wait3A_11 = arith.constant 0 : i32
      %dma_wait3A_12 = tpu.memref_slice %arg4[%mul3A_2, %dma_wait3A_11] : memref<2048x192xf32, #tpu.memory_space<hbm>> -> memref<64x192xf32, #tpu.memory_space<hbm>>
      %dma_wait3A_13 = arith.constant 0 : i32
      %dma_wait3A_14 = tpu.memref_slice %arg4[%mul3A_2, %dma_wait3A_13] : memref<2048x192xf32, #tpu.memory_space<hbm>> -> memref<64x192xf32, #tpu.memory_space<hbm>>
      tpu.wait_dma2 semaphore(%run_scoped3A : memref<!tpu.dma_semaphore, #tpu.memory_space<semaphore_mem>>) src(%arg6 : memref<64x192xf32, #tpu.memory_space<vmem>>) dst(%dma_wait3A_14 : memref<64x192xf32, #tpu.memory_space<hbm>>)
      tpu.yield
    }) : () -> ()
    return
  }
}

#map = affine_map<(d0, d1) -> (0, 0)>
#map1 = affine_map<(d0, d1) -> (0)>
module attributes {stable_mosaic.version = 14 : i64} {
  func.func @_sc_assemble_body(%arg0: i32, %arg1: i32, %arg2: memref<2048x192xf32, #tpu.memory_space<hbm>>, %arg3: memref<2048xi32, #tpu.memory_space<hbm>>, %arg4: memref<12552x192xf32, #tpu.memory_space<hbm>>, %arg5: memref<192xf32, #tpu.memory_space<vmem>>, %arg6: memref<56x192xf32, #tpu.memory_space<vmem>>, %arg7: memref<64xi32, #tpu.memory_space<vmem>>, %arg8: memref<64x192xf32, #tpu.memory_space<vmem>>, %arg9: memref<!tpu.dma_semaphore, #tpu.memory_space<semaphore_mem>>, %arg10: memref<!tpu.dma_semaphore, #tpu.memory_space<semaphore_mem>>) attributes {dimension_semantics = [#tpu.dimension_semantics<core_parallel>, #tpu.dimension_semantics<subcore_parallel>], iteration_bounds = array<i64: 2, 16>, scalar_prefetch = 0 : i64, scratch_operands = 6 : i64, tpu.core_type = #tpu.core_type<sc_vector_subcore>, window_params = [{transform_indices = #map}, {transform_indices = #map1}, {transform_indices = #map}]} {
    %mul3A = arith.constant 16 : i32
    %mul3A_0 = arith.muli %arg0, %mul3A : i32
    %add3A = arith.addi %mul3A_0, %arg1 : i32
    %mul3A_1 = arith.constant 392 : i32
    %mul3A_2 = arith.muli %add3A, %mul3A_1 : i32
    %jit3A = arith.constant 8 : i32
    %div3A = arith.divsi %add3A, %jit3A : i32
    %sign3A = arith.constant 0 : i32
    %sign3A_3 = arith.cmpi sgt, %add3A, %sign3A : i32
    %sign3A_4 = arith.extui %sign3A_3 : i1 to i32
    %sign3A_5 = arith.constant 0 : i32
    %sign3A_6 = arith.cmpi slt, %add3A, %sign3A_5 : i32
    %sign3A_7 = arith.extui %sign3A_6 : i1 to i32
    %sign3A_8 = arith.subi %sign3A_4, %sign3A_7 : i32
    %sign3A_9 = arith.constant 0 : i32
    %sign3A_10 = arith.cmpi sgt, %jit3A, %sign3A_9 : i32
    %sign3A_11 = arith.extui %sign3A_10 : i1 to i32
    %sign3A_12 = arith.constant 0 : i32
    %sign3A_13 = arith.cmpi slt, %jit3A, %sign3A_12 : i32
    %sign3A_14 = arith.extui %sign3A_13 : i1 to i32
    %sign3A_15 = arith.subi %sign3A_11, %sign3A_14 : i32
    %ne3A = arith.cmpi ne, %sign3A_8, %sign3A_15 : i32
    %rem3A = arith.remsi %add3A, %jit3A : i32
    %ne3A_16 = arith.constant 0 : i32
    %ne3A_17 = arith.cmpi ne, %rem3A, %ne3A_16 : i32
    %and3A = arith.andi %ne3A, %ne3A_17 : i1
    %sub3A = arith.constant 1 : i32
    %sub3A_18 = arith.subi %div3A, %sub3A : i32
    %select_n3A = arith.select %and3A, %sub3A_18, %div3A : i32
    %mul3A_19 = arith.constant 512 : i32
    %mul3A_20 = arith.muli %select_n3A, %mul3A_19 : i32
    %add3A_21 = arith.constant 450 : i32
    %add3A_22 = arith.addi %mul3A_20, %add3A_21 : i32
    "tpu.region"() ({
      %run_scoped3A = tpu.sem_alloc : memref<!tpu.dma_semaphore, #tpu.memory_space<semaphore_mem>>
      %dma_start3A_121 = arith.constant 0 : i32
      %dma_start3A_122 = tpu.memref_slice %arg2[%add3A_22, %dma_start3A_121] : memref<2048x192xf32, #tpu.memory_space<hbm>> -> memref<1x192xf32, #tpu.memory_space<hbm>>
      %dma_start3A_123 = tpu.memref_squeeze %dma_start3A_122 : memref<1x192xf32, #tpu.memory_space<hbm>> -> memref<192xf32, #tpu.memory_space<hbm>>
      %dma_start3A_124 = arith.constant 0 : i32
      %dma_start3A_125 = tpu.memref_slice %arg2[%add3A_22, %dma_start3A_124] : memref<2048x192xf32, #tpu.memory_space<hbm>> -> memref<1x192xf32, #tpu.memory_space<hbm>>
      %dma_start3A_126 = tpu.memref_squeeze %dma_start3A_125 : memref<1x192xf32, #tpu.memory_space<hbm>> -> memref<192xf32, #tpu.memory_space<hbm>>
      tpu.enqueue_dma source(%dma_start3A_126 : memref<192xf32, #tpu.memory_space<hbm>>) target(%arg5 : memref<192xf32, #tpu.memory_space<vmem>>) target_semaphore(%run_scoped3A : memref<!tpu.dma_semaphore, #tpu.memory_space<semaphore_mem>>)
      %dma_wait3A_127 = arith.constant 0 : i32
      %dma_wait3A_128 = tpu.memref_slice %arg2[%add3A_22, %dma_wait3A_127] : memref<2048x192xf32, #tpu.memory_space<hbm>> -> memref<1x192xf32, #tpu.memory_space<hbm>>
      %dma_wait3A_129 = tpu.memref_squeeze %dma_wait3A_128 : memref<1x192xf32, #tpu.memory_space<hbm>> -> memref<192xf32, #tpu.memory_space<hbm>>
      %dma_wait3A_130 = arith.constant 0 : i32
      %dma_wait3A_131 = tpu.memref_slice %arg2[%add3A_22, %dma_wait3A_130] : memref<2048x192xf32, #tpu.memory_space<hbm>> -> memref<1x192xf32, #tpu.memory_space<hbm>>
      %dma_wait3A_132 = tpu.memref_squeeze %dma_wait3A_131 : memref<1x192xf32, #tpu.memory_space<hbm>> -> memref<192xf32, #tpu.memory_space<hbm>>
      tpu.wait_dma2 semaphore(%run_scoped3A : memref<!tpu.dma_semaphore, #tpu.memory_space<semaphore_mem>>) src(%dma_wait3A_132 : memref<192xf32, #tpu.memory_space<hbm>>) dst(%arg5 : memref<192xf32, #tpu.memory_space<vmem>>)
      tpu.yield
    }) : () -> ()
    %scan3A = arith.constant 0 : i32
    %scan3A_23 = arith.constant 0 : i32
    %scan3A_24 = arith.constant 56 : i32
    %scan3A_25 = arith.addi %scan3A_23, %scan3A_24 : i32
    %scan3A_26 = arith.constant 1 : i32
    scf.for %scan3A_121 = %scan3A_23 to %scan3A_25 step %scan3A_26  : i32 {
      %get3A = arith.constant 0 : index
      %get3A_122 = tpu.vector_load %arg5[%get3A] {strides = array<i32>} : memref<192xf32, #tpu.memory_space<vmem>>, vector<16xf32>,
      %swap3A = arith.index_cast %scan3A_121 : i32 to index
      %swap3A_123 = arith.constant 0 : index
      %swap3A_124 = tpu.vector_load %arg6[%swap3A, %swap3A_123] {strides = array<i32>} : memref<56x192xf32, #tpu.memory_space<vmem>>, vector<16xf32>,
      tpu.vector_store %arg6[%swap3A, %swap3A_123], %get3A_122 {strides = array<i32>} : memref<56x192xf32, #tpu.memory_space<vmem>>, vector<16xf32>,
      %get3A_125 = arith.constant 16 : index
      %get3A_126 = tpu.vector_load %arg5[%get3A_125] {strides = array<i32>} : memref<192xf32, #tpu.memory_space<vmem>>, vector<16xf32>,
      %swap3A_127 = arith.index_cast %scan3A_121 : i32 to index
      %swap3A_128 = arith.constant 16 : index
      %swap3A_129 = tpu.vector_load %arg6[%swap3A_127, %swap3A_128] {strides = array<i32>} : memref<56x192xf32, #tpu.memory_space<vmem>>, vector<16xf32>,
      tpu.vector_store %arg6[%swap3A_127, %swap3A_128], %get3A_126 {strides = array<i32>} : memref<56x192xf32, #tpu.memory_space<vmem>>, vector<16xf32>,
      %get3A_130 = arith.constant 32 : index
      %get3A_131 = tpu.vector_load %arg5[%get3A_130] {strides = array<i32>} : memref<192xf32, #tpu.memory_space<vmem>>, vector<16xf32>,
      %swap3A_132 = arith.index_cast %scan3A_121 : i32 to index
      %swap3A_133 = arith.constant 32 : index
      %swap3A_134 = tpu.vector_load %arg6[%swap3A_132, %swap3A_133] {strides = array<i32>} : memref<56x192xf32, #tpu.memory_space<vmem>>, vector<16xf32>,
      tpu.vector_store %arg6[%swap3A_132, %swap3A_133], %get3A_131 {strides = array<i32>} : memref<56x192xf32, #tpu.memory_space<vmem>>, vector<16xf32>,
      %get3A_135 = arith.constant 48 : index
      %get3A_136 = tpu.vector_load %arg5[%get3A_135] {strides = array<i32>} : memref<192xf32, #tpu.memory_space<vmem>>, vector<16xf32>,
      %swap3A_137 = arith.index_cast %scan3A_121 : i32 to index
      %swap3A_138 = arith.constant 48 : index
      %swap3A_139 = tpu.vector_load %arg6[%swap3A_137, %swap3A_138] {strides = array<i32>} : memref<56x192xf32, #tpu.memory_space<vmem>>, vector<16xf32>,
      tpu.vector_store %arg6[%swap3A_137, %swap3A_138], %get3A_136 {strides = array<i32>} : memref<56x192xf32, #tpu.memory_space<vmem>>, vector<16xf32>,
      %get3A_140 = arith.constant 64 : index
      %get3A_141 = tpu.vector_load %arg5[%get3A_140] {strides = array<i32>} : memref<192xf32, #tpu.memory_space<vmem>>, vector<16xf32>,
      %swap3A_142 = arith.index_cast %scan3A_121 : i32 to index
      %swap3A_143 = arith.constant 64 : index
      %swap3A_144 = tpu.vector_load %arg6[%swap3A_142, %swap3A_143] {strides = array<i32>} : memref<56x192xf32, #tpu.memory_space<vmem>>, vector<16xf32>,
      tpu.vector_store %arg6[%swap3A_142, %swap3A_143], %get3A_141 {strides = array<i32>} : memref<56x192xf32, #tpu.memory_space<vmem>>, vector<16xf32>,
      %get3A_145 = arith.constant 80 : index
      %get3A_146 = tpu.vector_load %arg5[%get3A_145] {strides = array<i32>} : memref<192xf32, #tpu.memory_space<vmem>>, vector<16xf32>,
      %swap3A_147 = arith.index_cast %scan3A_121 : i32 to index
      %swap3A_148 = arith.constant 80 : index
      %swap3A_149 = tpu.vector_load %arg6[%swap3A_147, %swap3A_148] {strides = array<i32>} : memref<56x192xf32, #tpu.memory_space<vmem>>, vector<16xf32>,
      tpu.vector_store %arg6[%swap3A_147, %swap3A_148], %get3A_146 {strides = array<i32>} : memref<56x192xf32, #tpu.memory_space<vmem>>, vector<16xf32>,
      %get3A_150 = arith.constant 96 : index
      %get3A_151 = tpu.vector_load %arg5[%get3A_150] {strides = array<i32>} : memref<192xf32, #tpu.memory_space<vmem>>, vector<16xf32>,
      %swap3A_152 = arith.index_cast %scan3A_121 : i32 to index
      %swap3A_153 = arith.constant 96 : index
      %swap3A_154 = tpu.vector_load %arg6[%swap3A_152, %swap3A_153] {strides = array<i32>} : memref<56x192xf32, #tpu.memory_space<vmem>>, vector<16xf32>,
      tpu.vector_store %arg6[%swap3A_152, %swap3A_153], %get3A_151 {strides = array<i32>} : memref<56x192xf32, #tpu.memory_space<vmem>>, vector<16xf32>,
      %get3A_155 = arith.constant 112 : index
      %get3A_156 = tpu.vector_load %arg5[%get3A_155] {strides = array<i32>} : memref<192xf32, #tpu.memory_space<vmem>>, vector<16xf32>,
      %swap3A_157 = arith.index_cast %scan3A_121 : i32 to index
      %swap3A_158 = arith.constant 112 : index
      %swap3A_159 = tpu.vector_load %arg6[%swap3A_157, %swap3A_158] {strides = array<i32>} : memref<56x192xf32, #tpu.memory_space<vmem>>, vector<16xf32>,
      tpu.vector_store %arg6[%swap3A_157, %swap3A_158], %get3A_156 {strides = array<i32>} : memref<56x192xf32, #tpu.memory_space<vmem>>, vector<16xf32>,
      %get3A_160 = arith.constant 128 : index
      %get3A_161 = tpu.vector_load %arg5[%get3A_160] {strides = array<i32>} : memref<192xf32, #tpu.memory_space<vmem>>, vector<16xf32>,
      %swap3A_162 = arith.index_cast %scan3A_121 : i32 to index
      %swap3A_163 = arith.constant 128 : index
      %swap3A_164 = tpu.vector_load %arg6[%swap3A_162, %swap3A_163] {strides = array<i32>} : memref<56x192xf32, #tpu.memory_space<vmem>>, vector<16xf32>,
      tpu.vector_store %arg6[%swap3A_162, %swap3A_163], %get3A_161 {strides = array<i32>} : memref<56x192xf32, #tpu.memory_space<vmem>>, vector<16xf32>,
      %get3A_165 = arith.constant 144 : index
      %get3A_166 = tpu.vector_load %arg5[%get3A_165] {strides = array<i32>} : memref<192xf32, #tpu.memory_space<vmem>>, vector<16xf32>,
      %swap3A_167 = arith.index_cast %scan3A_121 : i32 to index
      %swap3A_168 = arith.constant 144 : index
      %swap3A_169 = tpu.vector_load %arg6[%swap3A_167, %swap3A_168] {strides = array<i32>} : memref<56x192xf32, #tpu.memory_space<vmem>>, vector<16xf32>,
      tpu.vector_store %arg6[%swap3A_167, %swap3A_168], %get3A_166 {strides = array<i32>} : memref<56x192xf32, #tpu.memory_space<vmem>>, vector<16xf32>,
      %get3A_170 = arith.constant 160 : index
      %get3A_171 = tpu.vector_load %arg5[%get3A_170] {strides = array<i32>} : memref<192xf32, #tpu.memory_space<vmem>>, vector<16xf32>,
      %swap3A_172 = arith.index_cast %scan3A_121 : i32 to index
      %swap3A_173 = arith.constant 160 : index
      %swap3A_174 = tpu.vector_load %arg6[%swap3A_172, %swap3A_173] {strides = array<i32>} : memref<56x192xf32, #tpu.memory_space<vmem>>, vector<16xf32>,
      tpu.vector_store %arg6[%swap3A_172, %swap3A_173], %get3A_171 {strides = array<i32>} : memref<56x192xf32, #tpu.memory_space<vmem>>, vector<16xf32>,
      %get3A_175 = arith.constant 176 : index
      %get3A_176 = tpu.vector_load %arg5[%get3A_175] {strides = array<i32>} : memref<192xf32, #tpu.memory_space<vmem>>, vector<16xf32>,
      %swap3A_177 = arith.index_cast %scan3A_121 : i32 to index
      %swap3A_178 = arith.constant 176 : index
      %swap3A_179 = tpu.vector_load %arg6[%swap3A_177, %swap3A_178] {strides = array<i32>} : memref<56x192xf32, #tpu.memory_space<vmem>>, vector<16xf32>,
      tpu.vector_store %arg6[%swap3A_177, %swap3A_178], %get3A_176 {strides = array<i32>} : memref<56x192xf32, #tpu.memory_space<vmem>>, vector<16xf32>,
    }
    %scan3A_27 = arith.constant 56 : i32
    %add3A_28 = arith.constant 0 : i32
    %add3A_29 = arith.addi %mul3A_2, %add3A_28 : i32
    %dma_start3A = arith.constant 0 : i32
    %dma_start3A_30 = tpu.memref_slice %arg4[%add3A_29, %dma_start3A] : memref<12552x192xf32, #tpu.memory_space<hbm>> -> memref<56x192xf32, #tpu.memory_space<hbm>>
    %dma_start3A_31 = arith.constant 0 : i32
    %dma_start3A_32 = tpu.memref_slice %arg4[%add3A_29, %dma_start3A_31] : memref<12552x192xf32, #tpu.memory_space<hbm>> -> memref<56x192xf32, #tpu.memory_space<hbm>>
    tpu.enqueue_dma source(%arg6 : memref<56x192xf32, #tpu.memory_space<vmem>>) target(%dma_start3A_32 : memref<56x192xf32, #tpu.memory_space<hbm>>) target_semaphore(%arg10 : memref<!tpu.dma_semaphore, #tpu.memory_space<semaphore_mem>>)
    %add3A_33 = arith.constant 56 : i32
    %add3A_34 = arith.addi %mul3A_2, %add3A_33 : i32
    %dma_start3A_35 = arith.constant 0 : i32
    %dma_start3A_36 = tpu.memref_slice %arg4[%add3A_34, %dma_start3A_35] : memref<12552x192xf32, #tpu.memory_space<hbm>> -> memref<56x192xf32, #tpu.memory_space<hbm>>
    %dma_start3A_37 = arith.constant 0 : i32
    %dma_start3A_38 = tpu.memref_slice %arg4[%add3A_34, %dma_start3A_37] : memref<12552x192xf32, #tpu.memory_space<hbm>> -> memref<56x192xf32, #tpu.memory_space<hbm>>
    tpu.enqueue_dma source(%arg6 : memref<56x192xf32, #tpu.memory_space<vmem>>) target(%dma_start3A_38 : memref<56x192xf32, #tpu.memory_space<hbm>>) target_semaphore(%arg10 : memref<!tpu.dma_semaphore, #tpu.memory_space<semaphore_mem>>)
    %add3A_39 = arith.constant 112 : i32
    %add3A_40 = arith.addi %mul3A_2, %add3A_39 : i32
    %dma_start3A_41 = arith.constant 0 : i32
    %dma_start3A_42 = tpu.memref_slice %arg4[%add3A_40, %dma_start3A_41] : memref<12552x192xf32, #tpu.memory_space<hbm>> -> memref<56x192xf32, #tpu.memory_space<hbm>>
    %dma_start3A_43 = arith.constant 0 : i32
    %dma_start3A_44 = tpu.memref_slice %arg4[%add3A_40, %dma_start3A_43] : memref<12552x192xf32, #tpu.memory_space<hbm>> -> memref<56x192xf32, #tpu.memory_space<hbm>>
    tpu.enqueue_dma source(%arg6 : memref<56x192xf32, #tpu.memory_space<vmem>>) target(%dma_start3A_44 : memref<56x192xf32, #tpu.memory_space<hbm>>) target_semaphore(%arg10 : memref<!tpu.dma_semaphore, #tpu.memory_space<semaphore_mem>>)
    %add3A_45 = arith.constant 168 : i32
    %add3A_46 = arith.addi %mul3A_2, %add3A_45 : i32
    %dma_start3A_47 = arith.constant 0 : i32
    %dma_start3A_48 = tpu.memref_slice %arg4[%add3A_46, %dma_start3A_47] : memref<12552x192xf32, #tpu.memory_space<hbm>> -> memref<56x192xf32, #tpu.memory_space<hbm>>
    %dma_start3A_49 = arith.constant 0 : i32
    %dma_start3A_50 = tpu.memref_slice %arg4[%add3A_46, %dma_start3A_49] : memref<12552x192xf32, #tpu.memory_space<hbm>> -> memref<56x192xf32, #tpu.memory_space<hbm>>
    tpu.enqueue_dma source(%arg6 : memref<56x192xf32, #tpu.memory_space<vmem>>) target(%dma_start3A_50 : memref<56x192xf32, #tpu.memory_space<hbm>>) target_semaphore(%arg10 : memref<!tpu.dma_semaphore, #tpu.memory_space<semaphore_mem>>)
    %add3A_51 = arith.constant 224 : i32
    %add3A_52 = arith.addi %mul3A_2, %add3A_51 : i32
    %dma_start3A_53 = arith.constant 0 : i32
    %dma_start3A_54 = tpu.memref_slice %arg4[%add3A_52, %dma_start3A_53] : memref<12552x192xf32, #tpu.memory_space<hbm>> -> memref<56x192xf32, #tpu.memory_space<hbm>>
    %dma_start3A_55 = arith.constant 0 : i32
    %dma_start3A_56 = tpu.memref_slice %arg4[%add3A_52, %dma_start3A_55] : memref<12552x192xf32, #tpu.memory_space<hbm>> -> memref<56x192xf32, #tpu.memory_space<hbm>>
    tpu.enqueue_dma source(%arg6 : memref<56x192xf32, #tpu.memory_space<vmem>>) target(%dma_start3A_56 : memref<56x192xf32, #tpu.memory_space<hbm>>) target_semaphore(%arg10 : memref<!tpu.dma_semaphore, #tpu.memory_space<semaphore_mem>>)
    %add3A_57 = arith.constant 280 : i32
    %add3A_58 = arith.addi %mul3A_2, %add3A_57 : i32
    %dma_start3A_59 = arith.constant 0 : i32
    %dma_start3A_60 = tpu.memref_slice %arg4[%add3A_58, %dma_start3A_59] : memref<12552x192xf32, #tpu.memory_space<hbm>> -> memref<56x192xf32, #tpu.memory_space<hbm>>
    %dma_start3A_61 = arith.constant 0 : i32
    %dma_start3A_62 = tpu.memref_slice %arg4[%add3A_58, %dma_start3A_61] : memref<12552x192xf32, #tpu.memory_space<hbm>> -> memref<56x192xf32, #tpu.memory_space<hbm>>
    tpu.enqueue_dma source(%arg6 : memref<56x192xf32, #tpu.memory_space<vmem>>) target(%dma_start3A_62 : memref<56x192xf32, #tpu.memory_space<hbm>>) target_semaphore(%arg10 : memref<!tpu.dma_semaphore, #tpu.memory_space<semaphore_mem>>)
    %add3A_63 = arith.constant 336 : i32
    %add3A_64 = arith.addi %mul3A_2, %add3A_63 : i32
    %dma_start3A_65 = arith.constant 0 : i32
    %dma_start3A_66 = tpu.memref_slice %arg4[%add3A_64, %dma_start3A_65] : memref<12552x192xf32, #tpu.memory_space<hbm>> -> memref<56x192xf32, #tpu.memory_space<hbm>>
    %dma_start3A_67 = arith.constant 0 : i32
    %dma_start3A_68 = tpu.memref_slice %arg4[%add3A_64, %dma_start3A_67] : memref<12552x192xf32, #tpu.memory_space<hbm>> -> memref<56x192xf32, #tpu.memory_space<hbm>>
    tpu.enqueue_dma source(%arg6 : memref<56x192xf32, #tpu.memory_space<vmem>>) target(%dma_start3A_68 : memref<56x192xf32, #tpu.memory_space<hbm>>) target_semaphore(%arg10 : memref<!tpu.dma_semaphore, #tpu.memory_space<semaphore_mem>>)
    %add3A_69 = arith.constant 0 : i32
    %add3A_70 = arith.addi %mul3A_2, %add3A_69 : i32
    %dma_wait3A = arith.constant 0 : i32
    %dma_wait3A_71 = tpu.memref_slice %arg4[%add3A_70, %dma_wait3A] : memref<12552x192xf32, #tpu.memory_space<hbm>> -> memref<56x192xf32, #tpu.memory_space<hbm>>
    %dma_wait3A_72 = arith.constant 0 : i32
    %dma_wait3A_73 = tpu.memref_slice %arg4[%add3A_70, %dma_wait3A_72] : memref<12552x192xf32, #tpu.memory_space<hbm>> -> memref<56x192xf32, #tpu.memory_space<hbm>>
    tpu.wait_dma2 semaphore(%arg10 : memref<!tpu.dma_semaphore, #tpu.memory_space<semaphore_mem>>) src(%arg6 : memref<56x192xf32, #tpu.memory_space<vmem>>) dst(%dma_wait3A_73 : memref<56x192xf32, #tpu.memory_space<hbm>>)
    %add3A_74 = arith.constant 56 : i32
    %add3A_75 = arith.addi %mul3A_2, %add3A_74 : i32
    %dma_wait3A_76 = arith.constant 0 : i32
    %dma_wait3A_77 = tpu.memref_slice %arg4[%add3A_75, %dma_wait3A_76] : memref<12552x192xf32, #tpu.memory_space<hbm>> -> memref<56x192xf32, #tpu.memory_space<hbm>>
    %dma_wait3A_78 = arith.constant 0 : i32
    %dma_wait3A_79 = tpu.memref_slice %arg4[%add3A_75, %dma_wait3A_78] : memref<12552x192xf32, #tpu.memory_space<hbm>> -> memref<56x192xf32, #tpu.memory_space<hbm>>
    tpu.wait_dma2 semaphore(%arg10 : memref<!tpu.dma_semaphore, #tpu.memory_space<semaphore_mem>>) src(%arg6 : memref<56x192xf32, #tpu.memory_space<vmem>>) dst(%dma_wait3A_79 : memref<56x192xf32, #tpu.memory_space<hbm>>)
    %add3A_80 = arith.constant 112 : i32
    %add3A_81 = arith.addi %mul3A_2, %add3A_80 : i32
    %dma_wait3A_82 = arith.constant 0 : i32
    %dma_wait3A_83 = tpu.memref_slice %arg4[%add3A_81, %dma_wait3A_82] : memref<12552x192xf32, #tpu.memory_space<hbm>> -> memref<56x192xf32, #tpu.memory_space<hbm>>
    %dma_wait3A_84 = arith.constant 0 : i32
    %dma_wait3A_85 = tpu.memref_slice %arg4[%add3A_81, %dma_wait3A_84] : memref<12552x192xf32, #tpu.memory_space<hbm>> -> memref<56x192xf32, #tpu.memory_space<hbm>>
    tpu.wait_dma2 semaphore(%arg10 : memref<!tpu.dma_semaphore, #tpu.memory_space<semaphore_mem>>) src(%arg6 : memref<56x192xf32, #tpu.memory_space<vmem>>) dst(%dma_wait3A_85 : memref<56x192xf32, #tpu.memory_space<hbm>>)
    %add3A_86 = arith.constant 168 : i32
    %add3A_87 = arith.addi %mul3A_2, %add3A_86 : i32
    %dma_wait3A_88 = arith.constant 0 : i32
    %dma_wait3A_89 = tpu.memref_slice %arg4[%add3A_87, %dma_wait3A_88] : memref<12552x192xf32, #tpu.memory_space<hbm>> -> memref<56x192xf32, #tpu.memory_space<hbm>>
    %dma_wait3A_90 = arith.constant 0 : i32
    %dma_wait3A_91 = tpu.memref_slice %arg4[%add3A_87, %dma_wait3A_90] : memref<12552x192xf32, #tpu.memory_space<hbm>> -> memref<56x192xf32, #tpu.memory_space<hbm>>
    tpu.wait_dma2 semaphore(%arg10 : memref<!tpu.dma_semaphore, #tpu.memory_space<semaphore_mem>>) src(%arg6 : memref<56x192xf32, #tpu.memory_space<vmem>>) dst(%dma_wait3A_91 : memref<56x192xf32, #tpu.memory_space<hbm>>)
    %add3A_92 = arith.constant 224 : i32
    %add3A_93 = arith.addi %mul3A_2, %add3A_92 : i32
    %dma_wait3A_94 = arith.constant 0 : i32
    %dma_wait3A_95 = tpu.memref_slice %arg4[%add3A_93, %dma_wait3A_94] : memref<12552x192xf32, #tpu.memory_space<hbm>> -> memref<56x192xf32, #tpu.memory_space<hbm>>
    %dma_wait3A_96 = arith.constant 0 : i32
    %dma_wait3A_97 = tpu.memref_slice %arg4[%add3A_93, %dma_wait3A_96] : memref<12552x192xf32, #tpu.memory_space<hbm>> -> memref<56x192xf32, #tpu.memory_space<hbm>>
    tpu.wait_dma2 semaphore(%arg10 : memref<!tpu.dma_semaphore, #tpu.memory_space<semaphore_mem>>) src(%arg6 : memref<56x192xf32, #tpu.memory_space<vmem>>) dst(%dma_wait3A_97 : memref<56x192xf32, #tpu.memory_space<hbm>>)
    %add3A_98 = arith.constant 280 : i32
    %add3A_99 = arith.addi %mul3A_2, %add3A_98 : i32
    %dma_wait3A_100 = arith.constant 0 : i32
    %dma_wait3A_101 = tpu.memref_slice %arg4[%add3A_99, %dma_wait3A_100] : memref<12552x192xf32, #tpu.memory_space<hbm>> -> memref<56x192xf32, #tpu.memory_space<hbm>>
    %dma_wait3A_102 = arith.constant 0 : i32
    %dma_wait3A_103 = tpu.memref_slice %arg4[%add3A_99, %dma_wait3A_102] : memref<12552x192xf32, #tpu.memory_space<hbm>> -> memref<56x192xf32, #tpu.memory_space<hbm>>
    tpu.wait_dma2 semaphore(%arg10 : memref<!tpu.dma_semaphore, #tpu.memory_space<semaphore_mem>>) src(%arg6 : memref<56x192xf32, #tpu.memory_space<vmem>>) dst(%dma_wait3A_103 : memref<56x192xf32, #tpu.memory_space<hbm>>)
    %add3A_104 = arith.constant 336 : i32
    %add3A_105 = arith.addi %mul3A_2, %add3A_104 : i32
    %dma_wait3A_106 = arith.constant 0 : i32
    %dma_wait3A_107 = tpu.memref_slice %arg4[%add3A_105, %dma_wait3A_106] : memref<12552x192xf32, #tpu.memory_space<hbm>> -> memref<56x192xf32, #tpu.memory_space<hbm>>
    %dma_wait3A_108 = arith.constant 0 : i32
    %dma_wait3A_109 = tpu.memref_slice %arg4[%add3A_105, %dma_wait3A_108] : memref<12552x192xf32, #tpu.memory_space<hbm>> -> memref<56x192xf32, #tpu.memory_space<hbm>>
    tpu.wait_dma2 semaphore(%arg10 : memref<!tpu.dma_semaphore, #tpu.memory_space<semaphore_mem>>) src(%arg6 : memref<56x192xf32, #tpu.memory_space<vmem>>) dst(%dma_wait3A_109 : memref<56x192xf32, #tpu.memory_space<hbm>>)
    %barrier3A = arith.constant 0 : index
    tpu.barrier barrier_id(%barrier3A)
    %mul3A_110 = arith.constant 1024 : i32
    %mul3A_111 = arith.muli %arg0, %mul3A_110 : i32
    %mul3A_112 = arith.constant 64 : i32
    %mul3A_113 = arith.muli %arg1, %mul3A_112 : i32
    %add3A_114 = arith.addi %mul3A_111, %mul3A_113 : i32
    "tpu.region"() ({
      %run_scoped3A = tpu.sem_alloc : memref<!tpu.dma_semaphore, #tpu.memory_space<semaphore_mem>>
      %dma_start3A_121 = tpu.memref_slice %arg3[%add3A_114] : memref<2048xi32, #tpu.memory_space<hbm>> -> memref<64xi32, #tpu.memory_space<hbm>>
      %dma_start3A_122 = tpu.memref_slice %arg3[%add3A_114] : memref<2048xi32, #tpu.memory_space<hbm>> -> memref<64xi32, #tpu.memory_space<hbm>>
      tpu.enqueue_dma source(%dma_start3A_122 : memref<64xi32, #tpu.memory_space<hbm>>) target(%arg7 : memref<64xi32, #tpu.memory_space<vmem>>) target_semaphore(%run_scoped3A : memref<!tpu.dma_semaphore, #tpu.memory_space<semaphore_mem>>)
      %dma_wait3A_123 = tpu.memref_slice %arg3[%add3A_114] : memref<2048xi32, #tpu.memory_space<hbm>> -> memref<64xi32, #tpu.memory_space<hbm>>
      %dma_wait3A_124 = tpu.memref_slice %arg3[%add3A_114] : memref<2048xi32, #tpu.memory_space<hbm>> -> memref<64xi32, #tpu.memory_space<hbm>>
      tpu.wait_dma2 semaphore(%run_scoped3A : memref<!tpu.dma_semaphore, #tpu.memory_space<semaphore_mem>>) src(%dma_wait3A_124 : memref<64xi32, #tpu.memory_space<hbm>>) dst(%arg7 : memref<64xi32, #tpu.memory_space<vmem>>)
      tpu.yield
    }) : () -> ()
    "tpu.region"() ({
      %run_scoped3A = tpu.sem_alloc : memref<!tpu.dma_semaphore, #tpu.memory_space<semaphore_mem>>
      %dma_start3A_121 = arith.constant 0 : i32
      %dma_start3A_122 = tpu.memref_slice %arg2[%add3A_114, %dma_start3A_121] : memref<2048x192xf32, #tpu.memory_space<hbm>> -> memref<64x192xf32, #tpu.memory_space<hbm>>
      %dma_start3A_123 = arith.constant 0 : i32
      %dma_start3A_124 = tpu.memref_slice %arg2[%add3A_114, %dma_start3A_123] : memref<2048x192xf32, #tpu.memory_space<hbm>> -> memref<64x192xf32, #tpu.memory_space<hbm>>
      tpu.enqueue_dma source(%dma_start3A_124 : memref<64x192xf32, #tpu.memory_space<hbm>>) target(%arg8 : memref<64x192xf32, #tpu.memory_space<vmem>>) target_semaphore(%run_scoped3A : memref<!tpu.dma_semaphore, #tpu.memory_space<semaphore_mem>>)
      %dma_wait3A_125 = arith.constant 0 : i32
      %dma_wait3A_126 = tpu.memref_slice %arg2[%add3A_114, %dma_wait3A_125] : memref<2048x192xf32, #tpu.memory_space<hbm>> -> memref<64x192xf32, #tpu.memory_space<hbm>>
      %dma_wait3A_127 = arith.constant 0 : i32
      %dma_wait3A_128 = tpu.memref_slice %arg2[%add3A_114, %dma_wait3A_127] : memref<2048x192xf32, #tpu.memory_space<hbm>> -> memref<64x192xf32, #tpu.memory_space<hbm>>
      tpu.wait_dma2 semaphore(%run_scoped3A : memref<!tpu.dma_semaphore, #tpu.memory_space<semaphore_mem>>) src(%dma_wait3A_128 : memref<64x192xf32, #tpu.memory_space<hbm>>) dst(%arg8 : memref<64x192xf32, #tpu.memory_space<vmem>>)
      tpu.yield
    }) : () -> ()
    %dma_start3A_115 = arith.constant 0 : i32
    %dma_start3A_116 = arith.constant 0 : i32
    %dma_start3A_117 = tpu.memref_slice %arg4[%dma_start3A_115, %dma_start3A_116] : memref<12552x192xf32, #tpu.memory_space<hbm>> -> memref<12552x192xf32, #tpu.memory_space<hbm>>
    tpu.enqueue_indirect_dma source(%arg8 : memref<64x192xf32, #tpu.memory_space<vmem>>) target(%dma_start3A_117 : memref<12552x192xf32, #tpu.memory_space<hbm>>) offsets(%arg7 : memref<64xi32, #tpu.memory_space<vmem>>) semaphore(%arg9 : memref<!tpu.dma_semaphore, #tpu.memory_space<semaphore_mem>>)
    %dma_wait3A_118 = arith.constant 0 : i32
    %dma_wait3A_119 = arith.constant 0 : i32
    %dma_wait3A_120 = tpu.memref_slice %arg4[%dma_wait3A_118, %dma_wait3A_119] : memref<12552x192xf32, #tpu.memory_space<hbm>> -> memref<12552x192xf32, #tpu.memory_space<hbm>>
    tpu.wait_indirect_dma semaphore(%arg9 : memref<!tpu.dma_semaphore, #tpu.memory_space<semaphore_mem>>) src(%arg8 : memref<64x192xf32, #tpu.memory_space<vmem>>) dst(%dma_wait3A_120 : memref<12552x192xf32, #tpu.memory_space<hbm>>)
    return
  }
}

module attributes {stable_mosaic.version = 14 : i64} {
  func.func @_proj_body(%arg0: i32, %arg1: memref<1x96x3136xf32, #tpu.memory_space<vmem>>, %arg2: memref<1x96x3136xf32, #tpu.memory_space<vmem>>, %arg3: memref<576x192xf32, #tpu.memory_space<vmem>>, %arg4: memref<576x1xf32, #tpu.memory_space<vmem>>, %arg5: memref<1x192x3136xf32, #tpu.memory_space<vmem>>, %arg6: memref<1x192x3136xf32, #tpu.memory_space<vmem>>, %arg7: memref<1x192x3136xf32, #tpu.memory_space<vmem>>) attributes {dimension_semantics = [#tpu.dimension_semantics<arbitrary>], iteration_bounds = array<i64: 4>, scalar_prefetch = 0 : i64, scratch_operands = 0 : i64, tpu.core_type = #tpu.core_type<tc>, window_params = [{transform_indices = @transform_0, window_bounds = array<i64: 1, 96, 3136>}, {transform_indices = @transform_1, window_bounds = array<i64: 1, 96, 3136>}, {pipeline_mode = #tpu.pipeline_mode<synchronous>, transform_indices = @transform_2, window_bounds = array<i64: 576, 192>}, {pipeline_mode = #tpu.pipeline_mode<synchronous>, transform_indices = @transform_3, window_bounds = array<i64: 576, 1>}, {transform_indices = @transform_4, window_bounds = array<i64: 1, 192, 3136>}, {transform_indices = @transform_5, window_bounds = array<i64: 1, 192, 3136>}, {transform_indices = @transform_6, window_bounds = array<i64: 1, 192, 3136>}]} {
    %get3A = arith.constant 0 : index
    %get3A_0 = arith.constant 0 : index
    %get3A_1 = vector.load %arg3[%get3A, %get3A_0] : memref<576x192xf32, #tpu.memory_space<vmem>>, vector<576x192xf32>
    %slice3A = vector.extract_strided_slice %get3A_1 {offsets = [0, 0], sizes = [576, 96], strides = [1, 1]} : vector<576x192xf32> to vector<576x96xf32>
    %get3A_2 = arith.constant 0 : index
    %get3A_3 = arith.constant 0 : index
    %get3A_4 = arith.constant 0 : index
    %get3A_5 = vector.load %arg1[%get3A_2, %get3A_3, %get3A_4] : memref<1x96x3136xf32, #tpu.memory_space<vmem>>, vector<1x96x3136xf32>
    %get3A_6 = vector.shape_cast %get3A_5 : vector<1x96x3136xf32> to vector<96x3136xf32>
    %dot_general3A = arith.constant dense<0.000000e+00> : vector<576x3136xf32>
    %dot_general3A_7 = tpu.matmul %slice3A, %get3A_6, %dot_general3A {dimension_numbers = #tpu.dot_dimension_numbers<[1], [0], [0], [1], [0, 0, 1, 1], [], []>, transpose_lhs_hint = false} : vector<576x96xf32>, vector<96x3136xf32>, vector<576x3136xf32> -> vector<576x3136xf32>
    %slice3A_8 = vector.extract_strided_slice %get3A_1 {offsets = [0, 96], sizes = [576, 96], strides = [1, 1]} : vector<576x192xf32> to vector<576x96xf32>
    %get3A_9 = arith.constant 0 : index
    %get3A_10 = arith.constant 0 : index
    %get3A_11 = arith.constant 0 : index
    %get3A_12 = vector.load %arg2[%get3A_9, %get3A_10, %get3A_11] : memref<1x96x3136xf32, #tpu.memory_space<vmem>>, vector<1x96x3136xf32>
    %get3A_13 = vector.shape_cast %get3A_12 : vector<1x96x3136xf32> to vector<96x3136xf32>
    %dot_general3A_14 = arith.constant dense<0.000000e+00> : vector<576x3136xf32>
    %dot_general3A_15 = tpu.matmul %slice3A_8, %get3A_13, %dot_general3A_14 {dimension_numbers = #tpu.dot_dimension_numbers<[1], [0], [0], [1], [0, 0, 1, 1], [], []>, transpose_lhs_hint = false} : vector<576x96xf32>, vector<96x3136xf32>, vector<576x3136xf32> -> vector<576x3136xf32>
    %add3A = arith.addf %dot_general3A_7, %dot_general3A_15 : vector<576x3136xf32>
    %get3A_16 = arith.constant 0 : index
    %get3A_17 = arith.constant 0 : index
    %get3A_18 = vector.load %arg4[%get3A_16, %get3A_17] : memref<576x1xf32, #tpu.memory_space<vmem>>, vector<576x1xf32>
    %add3A_19 = vector.broadcast %get3A_18 : vector<576x1xf32> to vector<576x3136xf32>
    %add3A_20 = arith.addf %add3A, %add3A_19 : vector<576x3136xf32>
    %slice3A_21 = vector.extract_strided_slice %add3A_20 {offsets = [0, 0], sizes = [192, 3136], strides = [1, 1]} : vector<576x3136xf32> to vector<192x3136xf32>
    %swap3A = arith.constant 0 : index
    %swap3A_22 = arith.constant 0 : index
    %swap3A_23 = arith.constant 0 : index
    %swap3A_24 = vector.load %arg5[%swap3A, %swap3A_22, %swap3A_23] : memref<1x192x3136xf32, #tpu.memory_space<vmem>>, vector<1x192x3136xf32>
    %swap3A_25 = vector.shape_cast %swap3A_24 : vector<1x192x3136xf32> to vector<192x3136xf32>
    %swap3A_26 = vector.shape_cast %slice3A_21 : vector<192x3136xf32> to vector<1x192x3136xf32>
    tpu.vector_store %arg5[%swap3A, %swap3A_22, %swap3A_23], %swap3A_26 {strides = array<i32>} : memref<1x192x3136xf32, #tpu.memory_space<vmem>>, vector<1x192x3136xf32>,
    %slice3A_27 = vector.extract_strided_slice %add3A_20 {offsets = [192, 0], sizes = [192, 3136], strides = [1, 1]} : vector<576x3136xf32> to vector<192x3136xf32>
    %swap3A_28 = arith.constant 0 : index
    %swap3A_29 = arith.constant 0 : index
    %swap3A_30 = arith.constant 0 : index
    %swap3A_31 = vector.load %arg6[%swap3A_28, %swap3A_29, %swap3A_30] : memref<1x192x3136xf32, #tpu.memory_space<vmem>>, vector<1x192x3136xf32>
    %swap3A_32 = vector.shape_cast %swap3A_31 : vector<1x192x3136xf32> to vector<192x3136xf32>
    %swap3A_33 = vector.shape_cast %slice3A_27 : vector<192x3136xf32> to vector<1x192x3136xf32>
    tpu.vector_store %arg6[%swap3A_28, %swap3A_29, %swap3A_30], %swap3A_33 {strides = array<i32>} : memref<1x192x3136xf32, #tpu.memory_space<vmem>>, vector<1x192x3136xf32>,
    %slice3A_34 = vector.extract_strided_slice %add3A_20 {offsets = [384, 0], sizes = [192, 3136], strides = [1, 1]} : vector<576x3136xf32> to vector<192x3136xf32>
    %swap3A_35 = arith.constant 0 : index
    %swap3A_36 = arith.constant 0 : index
    %swap3A_37 = arith.constant 0 : index
    %swap3A_38 = vector.load %arg7[%swap3A_35, %swap3A_36, %swap3A_37] : memref<1x192x3136xf32, #tpu.memory_space<vmem>>, vector<1x192x3136xf32>
    %swap3A_39 = vector.shape_cast %swap3A_38 : vector<1x192x3136xf32> to vector<192x3136xf32>
    %swap3A_40 = vector.shape_cast %slice3A_34 : vector<192x3136xf32> to vector<1x192x3136xf32>
    tpu.vector_store %arg7[%swap3A_35, %swap3A_36, %swap3A_37], %swap3A_40 {strides = array<i32>} : memref<1x192x3136xf32, #tpu.memory_space<vmem>>, vector<1x192x3136xf32>,
    return
  }
  func.func @transform_0(%arg0: i32) -> (i32, i32, i32) {
    %c0_i32 = arith.constant 0 : i32
    %c0_i32_0 = arith.constant 0 : i32
    %c0_i32_1 = arith.constant 0 : i32
    return %arg0, %c0_i32, %c0_i32_0 : i32, i32, i32
  }
  func.func @transform_1(%arg0: i32) -> (i32, i32, i32) {
    %c0_i32 = arith.constant 0 : i32
    %c0_i32_0 = arith.constant 0 : i32
    %c0_i32_1 = arith.constant 0 : i32
    return %arg0, %c0_i32, %c0_i32_0 : i32, i32, i32
  }
  func.func @transform_2(%arg0: i32) -> (i32, i32) {
    %c0_i32 = arith.constant 0 : i32
    %c0_i32_0 = arith.constant 0 : i32
    %c0_i32_1 = arith.constant 0 : i32
    return %c0_i32, %c0_i32_0 : i32, i32
  }
  func.func @transform_3(%arg0: i32) -> (i32, i32) {
    %c0_i32 = arith.constant 0 : i32
    %c0_i32_0 = arith.constant 0 : i32
    %c0_i32_1 = arith.constant 0 : i32
    return %c0_i32, %c0_i32_0 : i32, i32
  }
  func.func @transform_4(%arg0: i32) -> (i32, i32, i32) {
    %c0_i32 = arith.constant 0 : i32
    %c0_i32_0 = arith.constant 0 : i32
    %c0_i32_1 = arith.constant 0 : i32
    return %arg0, %c0_i32, %c0_i32_0 : i32, i32, i32
  }
  func.func @transform_5(%arg0: i32) -> (i32, i32, i32) {
    %c0_i32 = arith.constant 0 : i32
    %c0_i32_0 = arith.constant 0 : i32
    %c0_i32_1 = arith.constant 0 : i32
    return %arg0, %c0_i32, %c0_i32_0 : i32, i32, i32
  }
  func.func @transform_6(%arg0: i32) -> (i32, i32, i32) {
    %c0_i32 = arith.constant 0 : i32
    %c0_i32_0 = arith.constant 0 : i32
    %c0_i32_1 = arith.constant 0 : i32
    return %arg0, %c0_i32, %c0_i32_0 : i32, i32, i32
  }
}

module attributes {stable_mosaic.version = 14 : i64} {
  func.func @_scores_body(%arg0: i32, %arg1: memref<1x512x192xf32, #tpu.memory_space<vmem>>, %arg2: memref<1x3136x192xf32, #tpu.memory_space<vmem>>, %arg3: memref<1x1x3200xf32, #tpu.memory_space<vmem>>) attributes {dimension_semantics = [#tpu.dimension_semantics<arbitrary>], iteration_bounds = array<i64: 4>, scalar_prefetch = 0 : i64, scratch_operands = 0 : i64, tpu.core_type = #tpu.core_type<tc>, window_params = [{transform_indices = @transform_0, window_bounds = array<i64: 1, 512, 192>}, {transform_indices = @transform_1, window_bounds = array<i64: 1, 3136, 192>}, {transform_indices = @transform_2, window_bounds = array<i64: 1, 1, 3200>}]} {
    %get3A = arith.constant 0 : index
    %get3A_0 = arith.constant 0 : index
    %get3A_1 = arith.constant 0 : index
    %get3A_2 = vector.load %arg1[%get3A, %get3A_0, %get3A_1] : memref<1x512x192xf32, #tpu.memory_space<vmem>>, vector<1x512x192xf32>
    %get3A_3 = vector.shape_cast %get3A_2 : vector<1x512x192xf32> to vector<512x192xf32>
    %get3A_4 = arith.constant 0 : index
    %get3A_5 = arith.constant 0 : index
    %get3A_6 = arith.constant 0 : index
    %get3A_7 = vector.load %arg2[%get3A_4, %get3A_5, %get3A_6] : memref<1x3136x192xf32, #tpu.memory_space<vmem>>, vector<1x3136x192xf32>
    %get3A_8 = vector.shape_cast %get3A_7 : vector<1x3136x192xf32> to vector<3136x192xf32>
    %dot_general3A = arith.constant dense<0.000000e+00> : vector<512x3136xf32>
    %dot_general3A_9 = tpu.matmul %get3A_3, %get3A_8, %dot_general3A {dimension_numbers = #tpu.dot_dimension_numbers<[1], [1], [0], [0], [0, 0, 1, 0], [], []>, transpose_lhs_hint = false} : vector<512x192xf32>, vector<3136x192xf32>, vector<512x3136xf32> -> vector<512x3136xf32>
    %iota3A = tpu.iota {dimensions = array<i32: 0>} : vector<512x1xi32>
    %lt3A = arith.constant 450 : i32
    %lt3A_10 = vector.broadcast %lt3A : i32 to vector<512x1xi32>
    %lt3A_11 = arith.cmpi slt, %iota3A, %lt3A_10 : vector<512x1xi32>
    %jit3A = arith.constant 0xFF800000 : f32
    %broadcast_in_dim3A = vector.shape_cast %lt3A_11 : vector<512x1xi1> to vector<512x1xi1>
    %broadcast_in_dim3A_12 = vector.broadcast %broadcast_in_dim3A : vector<512x1xi1> to vector<512x3136xi1>
    %broadcast_in_dim3A_13 = vector.broadcast %jit3A : f32 to vector<512x3136xf32>
    %select_n3A = arith.select %broadcast_in_dim3A_12, %dot_general3A_9, %broadcast_in_dim3A_13 : vector<512x3136xi1>, vector<512x3136xf32>
    %reduce_max3A = arith.constant dense<0xFF800000> : vector<3136xf32>
    %reduce_max3A_14 = vector.multi_reduction <maximumf>, %select_n3A, %reduce_max3A [0] : vector<512x3136xf32> to vector<3136xf32>
    %broadcast_in_dim3A_15 = vector.shape_cast %reduce_max3A_14 : vector<3136xf32> to vector<1x3136xf32>
    %jit3A_16 = arith.constant 0.000000e+00 : f32
    %broadcast_in_dim3A_17 = vector.shape_cast %lt3A_11 : vector<512x1xi1> to vector<512x1xi1>
    %broadcast_in_dim3A_18 = vector.broadcast %broadcast_in_dim3A_17 : vector<512x1xi1> to vector<512x3136xi1>
    %broadcast_in_dim3A_19 = vector.broadcast %jit3A_16 : f32 to vector<512x3136xf32>
    %select_n3A_20 = arith.select %broadcast_in_dim3A_18, %dot_general3A_9, %broadcast_in_dim3A_19 : vector<512x3136xi1>, vector<512x3136xf32>
    %reduce_sum3A = arith.constant dense<0.000000e+00> : vector<3136xf32>
    %reduce_sum3A_21 = vector.multi_reduction <add>, %select_n3A_20, %reduce_sum3A [0] : vector<512x3136xf32> to vector<3136xf32>
    %broadcast_in_dim3A_22 = vector.shape_cast %reduce_sum3A_21 : vector<3136xf32> to vector<1x3136xf32>
    %mul3A = arith.constant 3.18877544E-4 : f32
    %mul3A_23 = vector.broadcast %mul3A : f32 to vector<1x3136xf32>
    %mul3A_24 = arith.mulf %broadcast_in_dim3A_22, %mul3A_23 : vector<1x3136xf32>
    %sub3A = arith.subf %broadcast_in_dim3A_15, %mul3A_24 : vector<1x3136xf32>
    %bitcast_convert_type3A = tpu.bitcast %sub3A : vector<1x3136xf32> -> vector<1x3136xi32>
    %shift_right_arithmetic3A = arith.constant 31 : i32
    %shift_right_arithmetic3A_25 = vector.broadcast %shift_right_arithmetic3A : i32 to vector<1x3136xi32>
    %shift_right_arithmetic3A_26 = arith.shrsi %bitcast_convert_type3A, %shift_right_arithmetic3A_25 : vector<1x3136xi32>
    %and3A = arith.constant 2147483647 : i32
    %and3A_27 = vector.broadcast %and3A : i32 to vector<1x3136xi32>
    %and3A_28 = arith.andi %shift_right_arithmetic3A_26, %and3A_27 : vector<1x3136xi32>
    %xor3A = arith.xori %bitcast_convert_type3A, %and3A_28 : vector<1x3136xi32>
    %ge3A = arith.constant 0 : i32
    %ge3A_29 = vector.broadcast %ge3A : i32 to vector<1x3136xi32>
    %ge3A_30 = arith.cmpi sge, %xor3A, %ge3A_29 : vector<1x3136xi32>
    %convert_element_type3A = arith.extui %ge3A_30 : vector<1x3136xi1> to vector<1x3136xi32>
    %reduce_sum3A_31 = vector.shape_cast %convert_element_type3A : vector<1x3136xi32> to vector<1x1x3136xi32>
    %reduce_sum3A_32 = arith.constant dense<0> : vector<1xi32>
    %reduce_sum3A_33 = vector.multi_reduction <add>, %reduce_sum3A_31, %reduce_sum3A_32 [1, 2] : vector<1x1x3136xi32> to vector<1xi32>
    %reduce_sum3A_34 = vector.shape_cast %reduce_sum3A_33 : vector<1xi32> to vector<1x1x1xi32>
    %reduce_sum3A_35 = vector.extract %reduce_sum3A_34[0, 0, 0] : i32 from vector<1x1x1xi32>
    %ge3A_36 = arith.constant 450 : i32
    %ge3A_37 = arith.cmpi sge, %reduce_sum3A_35, %ge3A_36 : i32
    %jit3A_38 = arith.constant 0 : i32
    %jit3A_39 = arith.constant -2147483648 : i32
    %select_n3A_40 = arith.select %ge3A_37, %jit3A_38, %jit3A_39 : i32
    %ge3A_41 = arith.constant 450 : i32
    %ge3A_42 = arith.cmpi sge, %reduce_sum3A_35, %ge3A_41 : i32
    %jit3A_43 = arith.constant 2147483647 : i32
    %jit3A_44 = arith.constant -1 : i32
    %select_n3A_45 = arith.select %ge3A_42, %jit3A_43, %jit3A_44 : i32
    %scan3A = arith.constant 0 : i32
    %scan3A_46 = arith.constant 31 : i32
    %scan3A_47 = arith.addi %scan3A, %scan3A_46 : i32
    %scan3A_48 = arith.constant 1 : i32
    %scan3A_49:2 = scf.for %scan3A_84 = %scan3A to %scan3A_47 step %scan3A_48 iter_args(%scan3A_85 = %select_n3A_40, %scan3A_86 = %select_n3A_45) -> (i32, i32)  : i32 {
      %sub3A_87 = arith.subi %scan3A_86, %scan3A_85 : i32
      %shift_right_logical3A = arith.constant 1 : i32
      %shift_right_logical3A_88 = arith.shrui %sub3A_87, %shift_right_logical3A : i32
      %and3A_89 = arith.constant 1 : i32
      %and3A_90 = arith.andi %sub3A_87, %and3A_89 : i32
      %add3A = arith.addi %shift_right_logical3A_88, %and3A_90 : i32
      %add3A_91 = arith.addi %scan3A_85, %add3A : i32
      %ge3A_92 = vector.broadcast %add3A_91 : i32 to vector<1x3136xi32>
      %ge3A_93 = arith.cmpi sge, %xor3A, %ge3A_92 : vector<1x3136xi32>
      %convert_element_type3A_94 = arith.extui %ge3A_93 : vector<1x3136xi1> to vector<1x3136xi32>
      %reduce_sum3A_95 = vector.shape_cast %convert_element_type3A_94 : vector<1x3136xi32> to vector<1x1x3136xi32>
      %reduce_sum3A_96 = arith.constant dense<0> : vector<1xi32>
      %reduce_sum3A_97 = vector.multi_reduction <add>, %reduce_sum3A_95, %reduce_sum3A_96 [1, 2] : vector<1x1x3136xi32> to vector<1xi32>
      %reduce_sum3A_98 = vector.shape_cast %reduce_sum3A_97 : vector<1xi32> to vector<1x1x1xi32>
      %reduce_sum3A_99 = vector.extract %reduce_sum3A_98[0, 0, 0] : i32 from vector<1x1x1xi32>
      %ge3A_100 = arith.constant 450 : i32
      %ge3A_101 = arith.cmpi sge, %reduce_sum3A_99, %ge3A_100 : i32
      %select_n3A_102 = arith.select %ge3A_101, %add3A_91, %scan3A_85 : i32
      %sub3A_103 = arith.constant 1 : i32
      %sub3A_104 = arith.subi %add3A_91, %sub3A_103 : i32
      %select_n3A_105 = arith.select %ge3A_101, %scan3A_86, %sub3A_104 : i32
      scf.yield %select_n3A_102, %select_n3A_105 : i32, i32
    }
    %gt3A = vector.broadcast %scan3A_49#0 : i32 to vector<1x3136xi32>
    %gt3A_50 = arith.cmpi sgt, %xor3A, %gt3A : vector<1x3136xi32>
    %convert_element_type3A_51 = arith.extui %gt3A_50 : vector<1x3136xi1> to vector<1x3136xi32>
    %reduce_sum3A_52 = vector.shape_cast %convert_element_type3A_51 : vector<1x3136xi32> to vector<1x1x3136xi32>
    %reduce_sum3A_53 = arith.constant dense<0> : vector<1xi32>
    %reduce_sum3A_54 = vector.multi_reduction <add>, %reduce_sum3A_52, %reduce_sum3A_53 [1, 2] : vector<1x1x3136xi32> to vector<1xi32>
    %reduce_sum3A_55 = vector.shape_cast %reduce_sum3A_54 : vector<1xi32> to vector<1x1x1xi32>
    %reduce_sum3A_56 = vector.extract %reduce_sum3A_55[0, 0, 0] : i32 from vector<1x1x1xi32>
    %sub3A_57 = arith.constant 450 : i32
    %sub3A_58 = arith.subi %sub3A_57, %reduce_sum3A_56 : i32
    %iota3A_59 = tpu.iota {dimensions = array<i32: 1>} : vector<1x3136xi32>
    %eq3A = vector.broadcast %scan3A_49#0 : i32 to vector<1x3136xi32>
    %eq3A_60 = arith.cmpi eq, %xor3A, %eq3A : vector<1x3136xi32>
    %scan3A_61 = arith.constant 0 : i32
    %scan3A_62 = arith.constant 3135 : i32
    %scan3A_63 = arith.constant 0 : i32
    %scan3A_64 = arith.constant 12 : i32
    %scan3A_65 = arith.addi %scan3A_63, %scan3A_64 : i32
    %scan3A_66 = arith.constant 1 : i32
    %scan3A_67:2 = scf.for %scan3A_84 = %scan3A_63 to %scan3A_65 step %scan3A_66 iter_args(%scan3A_85 = %scan3A_61, %scan3A_86 = %scan3A_62) -> (i32, i32)  : i32 {
      %add3A = arith.addi %scan3A_85, %scan3A_86 : i32
      %shift_right_logical3A = arith.constant 1 : i32
      %shift_right_logical3A_87 = arith.shrui %add3A, %shift_right_logical3A : i32
      %le3A = vector.broadcast %shift_right_logical3A_87 : i32 to vector<1x3136xi32>
      %le3A_88 = arith.cmpi sle, %iota3A_59, %le3A : vector<1x3136xi32>
      %and3A_89 = arith.andi %eq3A_60, %le3A_88 : vector<1x3136xi1>
      %convert_element_type3A_90 = arith.extui %and3A_89 : vector<1x3136xi1> to vector<1x3136xi32>
      %reduce_sum3A_91 = vector.shape_cast %convert_element_type3A_90 : vector<1x3136xi32> to vector<1x1x3136xi32>
      %reduce_sum3A_92 = arith.constant dense<0> : vector<1xi32>
      %reduce_sum3A_93 = vector.multi_reduction <add>, %reduce_sum3A_91, %reduce_sum3A_92 [1, 2] : vector<1x1x3136xi32> to vector<1xi32>
      %reduce_sum3A_94 = vector.shape_cast %reduce_sum3A_93 : vector<1xi32> to vector<1x1x1xi32>
      %reduce_sum3A_95 = vector.extract %reduce_sum3A_94[0, 0, 0] : i32 from vector<1x1x1xi32>
      %ge3A_96 = arith.cmpi sge, %reduce_sum3A_95, %sub3A_58 : i32
      %add3A_97 = arith.constant 1 : i32
      %add3A_98 = arith.addi %shift_right_logical3A_87, %add3A_97 : i32
      %select_n3A_99 = arith.select %ge3A_96, %scan3A_85, %add3A_98 : i32
      %select_n3A_100 = arith.select %ge3A_96, %shift_right_logical3A_87, %scan3A_86 : i32
      scf.yield %select_n3A_99, %select_n3A_100 : i32, i32
    }
    %shift_right_arithmetic3A_68 = arith.constant 31 : i32
    %shift_right_arithmetic3A_69 = arith.shrsi %scan3A_49#0, %shift_right_arithmetic3A_68 : i32
    %and3A_70 = arith.constant 2147483647 : i32
    %and3A_71 = arith.andi %shift_right_arithmetic3A_69, %and3A_70 : i32
    %xor3A_72 = arith.xori %scan3A_49#0, %and3A_71 : i32
    %bitcast_convert_type3A_73 = arith.bitcast %xor3A_72 : i32 to f32
    %broadcast_in_dim3A_74 = vector.broadcast %bitcast_convert_type3A_73 : f32 to vector<1x16xf32>
    %convert_element_type3A_75 = arith.sitofp %scan3A_67#0 : i32 to f32
    %broadcast_in_dim3A_76 = vector.broadcast %convert_element_type3A_75 : f32 to vector<1x16xf32>
    %broadcast_in_dim3A_77 = arith.constant 0.000000e+00 : f32
    %broadcast_in_dim3A_78 = vector.broadcast %broadcast_in_dim3A_77 : f32 to vector<1x32xf32>
    %concatenate3A = tpu.concatenate %sub3A, %broadcast_in_dim3A_74, %broadcast_in_dim3A_76, %broadcast_in_dim3A_78 in 1 : vector<1x3136xf32>, vector<1x16xf32>, vector<1x16xf32>, vector<1x32xf32> -> vector<1x3200xf32>
    %swap3A = arith.constant 0 : index
    %swap3A_79 = arith.constant 0 : index
    %swap3A_80 = arith.constant 0 : index
    %swap3A_81 = vector.load %arg3[%swap3A, %swap3A_79, %swap3A_80] : memref<1x1x3200xf32, #tpu.memory_space<vmem>>, vector<1x1x3200xf32>
    %swap3A_82 = vector.shape_cast %swap3A_81 : vector<1x1x3200xf32> to vector<1x3200xf32>
    %swap3A_83 = vector.shape_cast %concatenate3A : vector<1x3200xf32> to vector<1x1x3200xf32>
    tpu.vector_store %arg3[%swap3A, %swap3A_79, %swap3A_80], %swap3A_83 {strides = array<i32>} : memref<1x1x3200xf32, #tpu.memory_space<vmem>>, vector<1x1x3200xf32>,
    return
  }
  func.func @transform_0(%arg0: i32) -> (i32, i32, i32) {
    %c0_i32 = arith.constant 0 : i32
    %c0_i32_0 = arith.constant 0 : i32
    %c0_i32_1 = arith.constant 0 : i32
    return %arg0, %c0_i32, %c0_i32_0 : i32, i32, i32
  }
  func.func @transform_1(%arg0: i32) -> (i32, i32, i32) {
    %c0_i32 = arith.constant 0 : i32
    %c0_i32_0 = arith.constant 0 : i32
    %c0_i32_1 = arith.constant 0 : i32
    return %arg0, %c0_i32, %c0_i32_0 : i32, i32, i32
  }
  func.func @transform_2(%arg0: i32) -> (i32, i32, i32) {
    %c0_i32 = arith.constant 0 : i32
    %c0_i32_0 = arith.constant 0 : i32
    %c0_i32_1 = arith.constant 0 : i32
    return %arg0, %c0_i32, %c0_i32_0 : i32, i32, i32
  }
}

module attributes {stable_mosaic.version = 14 : i64} {
  func.func @_attn_body(%arg0: i32, %arg1: memref<1x512x192xf32, #tpu.memory_space<vmem>>, %arg2: memref<1x3136x192xf32, #tpu.memory_space<vmem>>, %arg3: memref<1x3136x192xf32, #tpu.memory_space<vmem>>, %arg4: memref<1x512x192xf32, #tpu.memory_space<vmem>>) attributes {dimension_semantics = [#tpu.dimension_semantics<arbitrary>], iteration_bounds = array<i64: 4>, scalar_prefetch = 0 : i64, scratch_operands = 0 : i64, tpu.core_type = #tpu.core_type<tc>, window_params = [{transform_indices = @transform_0, window_bounds = array<i64: 1, 512, 192>}, {transform_indices = @transform_1, window_bounds = array<i64: 1, 3136, 192>}, {transform_indices = @transform_2, window_bounds = array<i64: 1, 3136, 192>}, {transform_indices = @transform_3, window_bounds = array<i64: 1, 512, 192>}]} {
    %get3A = arith.constant 0 : index
    %get3A_0 = arith.constant 0 : index
    %get3A_1 = arith.constant 0 : index
    %get3A_2 = vector.load %arg1[%get3A, %get3A_0, %get3A_1] : memref<1x512x192xf32, #tpu.memory_space<vmem>>, vector<1x512x192xf32>
    %get3A_3 = vector.shape_cast %get3A_2 : vector<1x512x192xf32> to vector<512x192xf32>
    %get3A_4 = arith.constant 0 : index
    %get3A_5 = arith.constant 0 : index
    %get3A_6 = arith.constant 0 : index
    %get3A_7 = vector.load %arg2[%get3A_4, %get3A_5, %get3A_6] : memref<1x3136x192xf32, #tpu.memory_space<vmem>>, vector<1x3136x192xf32>
    %get3A_8 = vector.shape_cast %get3A_7 : vector<1x3136x192xf32> to vector<3136x192xf32>
    %get3A_9 = arith.constant 0 : index
    %get3A_10 = arith.constant 0 : index
    %get3A_11 = arith.constant 0 : index
    %get3A_12 = vector.load %arg3[%get3A_9, %get3A_10, %get3A_11] : memref<1x3136x192xf32, #tpu.memory_space<vmem>>, vector<1x3136x192xf32>
    %get3A_13 = vector.shape_cast %get3A_12 : vector<1x3136x192xf32> to vector<3136x192xf32>
    %dot_general3A = arith.constant dense<0.000000e+00> : vector<512x3136xf32>
    %dot_general3A_14 = tpu.matmul %get3A_3, %get3A_8, %dot_general3A {dimension_numbers = #tpu.dot_dimension_numbers<[1], [1], [0], [0], [0, 0, 1, 0], [], []>, transpose_lhs_hint = false} : vector<512x192xf32>, vector<3136x192xf32>, vector<512x3136xf32> -> vector<512x3136xf32>
    %mul3A = arith.constant 0.0721687824 : f32
    %mul3A_15 = vector.broadcast %mul3A : f32 to vector<512x3136xf32>
    %mul3A_16 = arith.mulf %dot_general3A_14, %mul3A_15 : vector<512x3136xf32>
    %reduce_max3A = arith.constant dense<0xFF800000> : vector<512xf32>
    %reduce_max3A_17 = vector.multi_reduction <maximumf>, %mul3A_16, %reduce_max3A [1] : vector<512x3136xf32> to vector<512xf32>
    %broadcast_in_dim3A = vector.shape_cast %reduce_max3A_17 : vector<512xf32> to vector<512x1xf32>
    %sub3A = vector.broadcast %broadcast_in_dim3A : vector<512x1xf32> to vector<512x3136xf32>
    %sub3A_18 = arith.subf %mul3A_16, %sub3A : vector<512x3136xf32>
    %exp3A = math.exp %sub3A_18 : vector<512x3136xf32>
    %reduce_sum3A = arith.constant dense<0.000000e+00> : vector<512xf32>
    %reduce_sum3A_19 = vector.multi_reduction <add>, %exp3A, %reduce_sum3A [1] : vector<512x3136xf32> to vector<512xf32>
    %broadcast_in_dim3A_20 = vector.shape_cast %reduce_sum3A_19 : vector<512xf32> to vector<512x1xf32>
    %div3A = vector.broadcast %broadcast_in_dim3A_20 : vector<512x1xf32> to vector<512x3136xf32>
    %div3A_21 = arith.divf %exp3A, %div3A : vector<512x3136xf32>
    %dot_general3A_22 = arith.constant dense<0.000000e+00> : vector<512x192xf32>
    %dot_general3A_23 = tpu.matmul %div3A_21, %get3A_13, %dot_general3A_22 {dimension_numbers = #tpu.dot_dimension_numbers<[1], [0], [0], [1], [0, 0, 1, 1], [], []>, transpose_lhs_hint = false} : vector<512x3136xf32>, vector<3136x192xf32>, vector<512x192xf32> -> vector<512x192xf32>
    %reduce_sum3A_24 = arith.constant dense<0.000000e+00> : vector<192xf32>
    %reduce_sum3A_25 = vector.multi_reduction <add>, %get3A_13, %reduce_sum3A_24 [0] : vector<3136x192xf32> to vector<192xf32>
    %broadcast_in_dim3A_26 = vector.shape_cast %reduce_sum3A_25 : vector<192xf32> to vector<1x192xf32>
    %div3A_27 = arith.constant 3.136000e+03 : f32
    %div3A_28 = vector.broadcast %div3A_27 : f32 to vector<1x192xf32>
    %div3A_29 = arith.divf %broadcast_in_dim3A_26, %div3A_28 : vector<1x192xf32>
    %iota3A = tpu.iota {dimensions = array<i32: 0>} : vector<512x1xi32>
    %eq3A = arith.constant 450 : i32
    %eq3A_30 = vector.broadcast %eq3A : i32 to vector<512x1xi32>
    %eq3A_31 = arith.cmpi eq, %iota3A, %eq3A_30 : vector<512x1xi32>
    %broadcast_in_dim3A_32 = vector.shape_cast %eq3A_31 : vector<512x1xi1> to vector<512x1xi1>
    %broadcast_in_dim3A_33 = vector.broadcast %broadcast_in_dim3A_32 : vector<512x1xi1> to vector<512x192xi1>
    %broadcast_in_dim3A_34 = vector.shape_cast %div3A_29 : vector<1x192xf32> to vector<1x192xf32>
    %broadcast_in_dim3A_35 = vector.broadcast %broadcast_in_dim3A_34 : vector<1x192xf32> to vector<512x192xf32>
    %select_n3A = arith.select %broadcast_in_dim3A_33, %broadcast_in_dim3A_35, %dot_general3A_23 : vector<512x192xi1>, vector<512x192xf32>
    %swap3A = arith.constant 0 : index
    %swap3A_36 = arith.constant 0 : index
    %swap3A_37 = arith.constant 0 : index
    %swap3A_38 = vector.load %arg4[%swap3A, %swap3A_36, %swap3A_37] : memref<1x512x192xf32, #tpu.memory_space<vmem>>, vector<1x512x192xf32>
    %swap3A_39 = vector.shape_cast %swap3A_38 : vector<1x512x192xf32> to vector<512x192xf32>
    %swap3A_40 = vector.shape_cast %select_n3A : vector<512x192xf32> to vector<1x512x192xf32>
    tpu.vector_store %arg4[%swap3A, %swap3A_36, %swap3A_37], %swap3A_40 {strides = array<i32>} : memref<1x512x192xf32, #tpu.memory_space<vmem>>, vector<1x512x192xf32>,
    return
  }
  func.func @transform_0(%arg0: i32) -> (i32, i32, i32) {
    %c0_i32 = arith.constant 0 : i32
    %c0_i32_0 = arith.constant 0 : i32
    %c0_i32_1 = arith.constant 0 : i32
    return %arg0, %c0_i32, %c0_i32_0 : i32, i32, i32
  }
  func.func @transform_1(%arg0: i32) -> (i32, i32, i32) {
    %c0_i32 = arith.constant 0 : i32
    %c0_i32_0 = arith.constant 0 : i32
    %c0_i32_1 = arith.constant 0 : i32
    return %arg0, %c0_i32, %c0_i32_0 : i32, i32, i32
  }
  func.func @transform_2(%arg0: i32) -> (i32, i32, i32) {
    %c0_i32 = arith.constant 0 : i32
    %c0_i32_0 = arith.constant 0 : i32
    %c0_i32_1 = arith.constant 0 : i32
    return %arg0, %c0_i32, %c0_i32_0 : i32, i32, i32
  }
  func.func @transform_3(%arg0: i32) -> (i32, i32, i32) {
    %c0_i32 = arith.constant 0 : i32
    %c0_i32_0 = arith.constant 0 : i32
    %c0_i32_1 = arith.constant 0 : i32
    return %arg0, %c0_i32, %c0_i32_0 : i32, i32, i32
  }
}

</mosaic_0001>

<sc_bundles>
// kernel: kernel.11.cloned.1.call-start
scs
__scs_entry_jumppad:
0x0: {  	(pc) =	sbr.rel $0x88, $3  }
0x1: {  	(tag) =	ssettag $0x0;
	lr =	simm.s32 $0x1  }
0x2: {  	[smem:$0x3F99] =	sst lr;
	_ =	strace $0xD0000000  }
0x3: {  	_ = 	snop  }
0x4: {  	_ = 	snop  }
0x5: {  	_ = 	snop  }
0x6: {  	_ = 	snop  }
0x7: {  	_ = 	snop  }
__scs_overlays_trampoline_lowered:
0x8: {  	[smem:$0x3FA8] =	sst s0  }
0x9: {  	[smem:$0x3FA9] =	sst s1  }
0xa: {  	[smem:$0x3FAA] =	sst s2  }
0xb: {  	[smem:$0x3FAB] =	sst s3  }
0xc: {  	[smem:$0x3FAC] =	sst s4  }
0xd: {  	[smem:$0x3FAD] =	sst s5  }
0xe: {  	[smem:$0x3FAE] =	sst s6  }
0xf: {  	[smem:$0x3FAF] =	sst s7  }
0x10: {  	[smem:$0x3FB0] =	sst s8  }
0x11: {  	[smem:$0x3FB1] =	sst s9;
	s0 =	simm.s32 @!p0 $0x0  }
0x12: {  	s1 =	sld [smem:$0x3F97];
	s0 =	simm.s32 @p0 $0x1  }
0x13: {  	[smem:$0x3FB2] =	sst s0;
	s0 =	simm.s32 @!p1 $0x0  }
0x14: {  	s2 =	sld [smem:$0x3F96];
	s0 =	simm.s32 @p1 $0x1  }
0x15: {  	[smem:$0x3FB3] =	sst s0;
	s0 =	simm.s32 @!p2 $0x0  }
0x16: {  	s3 =	sld [smem:$0x3FDB];
	s0 =	simm.s32 @p2 $0x1  }
0x17: {  	s4 =	simm.s32 $0x1BF5;
	[smem:$0x3FB5] =	sst s0  }
0x18: {  	s0 =	sld [smem:$0x3F98];
	_ =	swait.ge [sflag:s4], $0x0  }
0x19: {  	s7 =	sld [smem:$0x3F99]  }
0x1a: {  	s8 =	sadd.s32 $0xFFFFE003, lr  }
0x1b: {  	s9 =	sadd.s32 $0xFFFFFEF7, lr;
	s5 =	simm.s32 $0xFFFFFFFF;
	p2 =	slt.u32 s8, $0xFFFFF086  }
0x1c: {  	p1 =	slt.u32 s9, $0xF7A;
	s5 =	simm.s32 @!p2 $0x0  }
0x1d: {  	s5 =	simm.s32 @p1 $0x1;
	p0 =	seq.s32 s7, s2  }
0x1e: {  	s7 =	smul.u32 @!p0 $0xF7A, s2;
	p2 =	seq.s32 @!p0 s5, $0x0  }
0x1f: {  	s9 =	smul.u32 $0xF7A, s1;
	s8 =	simm.s32 @!p0 $0x1BF5;
	p2 =	por !p2, p0  }
0x20: {  	[sflag:s8] =	ssyncset.s32 @!p0 $0xFFFFF086;
	s6 =	sadd.s32 @!p0 s3, s7;
	s7 =	simm.s32 @!p0 $0x108  }
0x21: {  	s3 =	sadd.s32 s3, s9;
	s6 =	sadd.s32 @!p0 $0x88, s6;
	s7 =	simm.s32 @p2 $0x1082  }
0x22: {  	[simem:s7], [sflag:s8] =	dma.local @!p0 [hbm:s6], $0xF7A  }
0x23: {  	s9 =	sor.u32 $0xD0000000, s2;
	s6 =	simm.s32 $0x108;
	_ =	swait.ge @!p0 [sflag:s8], $0x0  }
0x24: {  	s3 =	sadd.s32 $0x88, s3;
	s6 =	simm.s32 @!p1 $0x1082;
	[sflag:s4] =	ssyncset.s32 $0xFFFFF086  }
0x25: {  	[simem:s6], [sflag:s4] =	dma.local [hbm:s3], $0xF7A  }
0x26: {  	[smem:$0x3F99] =	sst s1;
	(tag) =	ssettag s2;
	_ =	strace s9  }
0x27: {  	s1 =	sld [smem:$0x3FA9]  }
0x28: {  	s2 =	sld [smem:$0x3FAA]  }
0x29: {  	s4 =	sld [smem:$0x3FAC]  }
0x2a: {  	p0 =	seq.s32 s5, $0x0;
	s5 =	sld [smem:$0x3FAD]  }
0x2b: {  	s6 =	sld [smem:$0x3FAE]  }
0x2c: {  	s7 =	sld [smem:$0x3FAF]  }
0x2d: {  	s3 =	simm.s32 $0x108;
	s8 =	sld [smem:$0x3FB0]  }
0x2e: {  	s3 =	simm.s32 @!p0 $0x1082;
	s9 =	sld [smem:$0x3FB1]  }
0x2f: {  	lr =	sadd.s32 s0, s3;
	s0 =	sld [smem:$0x3FA8]  }
0x30: {  	s3 =	sld [smem:$0x3FAB]  }
0x31: {  	[smem:$0x3FB4] =	sst s10  }
0x32: {  	s10 =	sld [smem:$0x3FB2];
	_ =	sdelay $0x3  }
0x33: {  	p0 =	seq.s32 s10, $0x1;
	s10 =	sld [smem:$0x3FB4];
	_ =	sdelay $0x3  }
0x34: {  	[smem:$0x3FB4] =	sst s10  }
0x35: {  	s10 =	sld [smem:$0x3FB3];
	_ =	sdelay $0x3  }
0x36: {  	p1 =	seq.s32 s10, $0x1;
	s10 =	sld [smem:$0x3FB4];
	_ =	sdelay $0x3  }
0x37: {  	[smem:$0x3FB4] =	sst s10  }
0x38: {  	s10 =	sld [smem:$0x3FB5]  }
0x39: {  	_ = 	snop;
	(pc) =	sbr.ind lr, $3  }
0x3a: {  	_ = 	snop  }
0x3b: {  	_ = 	snop  }
0x3c: {  	p2 =	seq.s32 s10, $0x1;
	s10 =	sld [smem:$0x3FB4]  }
0x3d: {  	_ =	shalt  }
0x3e: {  	_ =	shalt  }
0x3f: {  	_ =	shalt  }
0x40: {  	_ =	shalt  }
0x41: {  	_ =	shalt  }
0x42: {  	_ =	shalt  }
0x43: {  	_ =	shalt  }
0x44: {  	_ =	shalt  }
0x45: {  	_ =	shalt  }
0x46: {  	_ =	shalt  }
0x47: {  	_ =	shalt  }
0x48: {  	_ =	shalt  }
0x49: {  	_ =	shalt  }
0x4a: {  	_ =	shalt  }
0x4b: {  	_ =	shalt  }
0x4c: {  	_ =	shalt  }
0x4d: {  	_ =	shalt  }
0x4e: {  	_ =	shalt  }
0x4f: {  	_ =	shalt  }
0x50: {  	_ =	shalt  }
0x51: {  	_ =	shalt  }
0x52: {  	_ =	shalt  }
0x53: {  	_ =	shalt  }
0x54: {  	_ =	shalt  }
0x55: {  	_ =	shalt  }
0x56: {  	_ =	shalt  }
0x57: {  	_ =	shalt  }
0x58: {  	_ =	shalt  }
0x59: {  	_ =	shalt  }
0x5a: {  	_ =	shalt  }
0x5b: {  	_ =	shalt  }
0x5c: {  	_ =	shalt  }
0x5d: {  	_ =	shalt  }
0x5e: {  	_ =	shalt  }
0x5f: {  	_ =	shalt  }
0x60: {  	_ =	shalt  }
0x61: {  	_ =	shalt  }
0x62: {  	_ =	shalt  }
0x63: {  	_ =	shalt  }
0x64: {  	_ =	shalt  }
0x65: {  	_ =	shalt  }
0x66: {  	_ =	shalt  }
0x67: {  	_ =	shalt  }
0x68: {  	_ =	shalt  }
0x69: {  	_ =	shalt  }
0x6a: {  	_ =	shalt  }
0x6b: {  	_ =	shalt  }
0x6c: {  	_ =	shalt  }
0x6d: {  	_ =	shalt  }
0x6e: {  	_ =	shalt  }
0x6f: {  	_ =	shalt  }
0x70: {  	_ =	shalt  }
0x71: {  	_ =	shalt  }
0x72: {  	_ =	shalt  }
0x73: {  	_ =	shalt  }
0x74: {  	_ =	shalt  }
0x75: {  	_ =	shalt  }
0x76: {  	_ =	shalt  }
0x77: {  	_ =	shalt  }
0x78: {  	_ =	shalt  }
0x79: {  	_ =	shalt  }
0x7a: {  	_ =	shalt  }
0x7b: {  	_ =	shalt  }
0x7c: {  	_ =	shalt  }
0x7d: {  	_ =	shalt  }
0x7e: {  	_ =	shalt  }
0x7f: {  	_ =	shalt  }
0x80: {  	_ =	shalt  }
0x81: {  	_ =	shalt  }
0x82: {  	_ =	shalt  }
0x83: {  	_ =	shalt  }
0x84: {  	_ =	shalt  }
0x85: {  	_ =	shalt  }
0x86: {  	_ =	shalt  }
0x87: {  	_ =	shalt  }
.Lfunc_end0:
.L_simem_size_0:
called_computation.1_lowered:
.L_overlay_start_0:
0x88: {  	s2 =	sld [smem:$0x3FD9]  }
0x89: {  	s3 =	sld [smem:$0x3FFE];
	_ =	sdelay $0x1  }
0x8a: {  	s1 =	srdreg.scid  }
0x8b: {  	s0 =	sand.u32 $0x1, s1  }
0x8c: {  	s16 =	sshll.u32 s0, $0xA;
	s2 =	sadd.s32 s3, s2  }
0x8d: {  	s2 =	sadd.s32 s2, s16  }
0x8e: {  	[smem:$0x3FC0] =	sst s2  }
0x8f: {  	_ = 	snop  }
0x90: {  	(tm) =	ssettm $0x1  }
0x91: {  	s17 =	sld [smem:$0x3FFB];
	_ =	sdelay $0x3  }
0x92: {  	_ =	strace s17  }
0x93: {  	s2 =	sld [smem:$0x3FFC];
	_ =	sdelay $0x3  }
0x94: {  	_ =	strace s2  }
0x95: {  	s2 =	sld [smem:$0x3FFD];
	_ =	sdelay $0x3  }
0x96: {  	_ =	strace s2  }
0x97: {  	_ =	strace $0x8FFFFFFF  }
0x98: {  	s18 =	sld [smem:$0x3FDB];
	_ =	sdelay $0x1  }
0x99: {  	s19 =	simm.s32 $_scs_section_size  }
0x9a: {  	s4 =	simm.s32 $_size__tile_overlayer_lowered;
	s5 =	simm.s32 $_tile_overlayer_lowered  }
0x9b: {  	s22 =	simm.s32 $0x1BFF;
	s21 =	sshll.u32 s5, $0x1;
	s2 =	sadd.s32 s19, s18  }
0x9c: {  	s6 =	simm.s32 $0x0;
	s20 =	sshll.u32 s4, $0x1;
	s4 =	sadd.s32 s21, s2  }
0x9d: {  	[timem:s6], [sflag:s22] =	dma.local [hbm:s4], s20  }
0x9e: {  	_ =	swait.ge [sflag:s22], s20  }
0x9f: {  	s3 =	ssub.s32 $0x0, s20;
	[sflag:s22] =	ssyncset.done $0x0  }
0xa0: {  	[sflag:s22] =	ssyncadd.s32 s3;
	_ =	sdelay $0x1  }
0xa1: {  	s23 =	simm.s32 $0x1B8B  }
0xa2: {  	_ =	swait.ge [sflag:s23], $0x1  }
0xa3: {  	[sflag:s23] =	ssyncset.done $0x0  }
0xa4: {  	s25 =	simm.s32 $0x1B8E;
	s24 =	sld [smem:$0x3FFE];
	[sflag:s23] =	ssyncadd.s32 $0xFFFFFFFF  }
0xa5: {  	s26 =	simm.s32 $execute0_lowered;
	[smem:$0x3FD2] =	sst s25  }
0xa6: {  	s4 =	sshll.u32 s26, $0x1;
	_ =	strace $0x80000049;
	[dreg:$0x1] =	wrdreg $0xFFFFFFFF  }
0xa7: {  	s28 =	simm.s32 $_size_execute0_lowered;
	s2 =	sadd.s32 s2, s4;
	[dreg:$0x0] =	wrdreg $0x0  }
0xa8: {  	s4 =	sshll.u32 s28, $0x1;
	[dreg:$0x2] =	wrdreg s2  }
0xa9: {  	[dreg:$0x3] =	wrdreg s4  }
0xaa: {  	[dreg:$0x4] =	wrdreg $0xC0  }
0xab: {  	_ =	task [dreg:s6], $0x5FFFF  }
0xac: {  	[dreg:$0x1] =	wrdreg $0xFFFFFFFF  }
0xad: {  	[dreg:$0x0] =	wrdreg $0x60  }
0xae: {  	[dreg:$0x2] =	wrdreg s24  }
0xaf: {  	[dreg:$0x3] =	wrdreg $0x9  }
0xb0: {  	_ =	task.clear_ibuf [dreg:s6], $0x4FFFF;
	_ =	strace $0x90000049  }
0xb1: {  	s29 =	simm.s32 $0x9;
	_ =	strace $0x8000004B  }
0xb2: {  	_ =	swait.ge [sflag:s29], $0x1  }
0xb3: {  	[sflag:s29] =	ssyncadd.s32 $0xFFFFFFFF  }
0xb4: {  	_ =	strace $0x9000004B  }
0xb5: {  	_ =	sfence  }
0xb6: {  	s30 =	sld [smem:$0x0];
	_ =	sdelay $0x2  }
0xb7: {  	s31 =	sshll.u32 s1, $0xD;
	s1 =	sshrl.u32 s1, $0x2  }
0xb8: {  	s3 =	sand.u32 $0x4000, s31;
	s1 =	sadd.s32 s1, s30  }
0xb9: {  	s0 =	sor.u32 s3, s0;
	s1 =	sshll.u32 s1, $0x11  }
0xba: {  	s0 =	sor.u32 s1, s0  }
0xbb: {  	s0 =	sadd.s32 $0x8F2B, s0  }
0xbc: {  	[sflag:s0] =	ssyncadd.remote.s32 $0x1  }
0xbd: {  	_ =	sfence.sel $0xFFFF  }
0xbe: {  	[dreg:$0x0] =	wrdreg $0xFFFFFFFF;
	(pc) =	sbr.abs _section_cstart, $3  }
0xbf: {  	[dreg:$0x1] =	wrdreg $0xFFFFFFFF  }
0xc0: {  	_ =	task.clear_ibuf [dreg:s6], $0x2FFFF;
	_ =	strace $0x9FFFFFFF  }
0xc1: {  	(tm) =	ssettm $0x7FFFFFFF  }
tec
execute0_lowered:
.L_overlay_start_1:
0x0: {  	(tag) =	ssettag $0x1  }
0x1: {  	s1 =	stileid.u32  }
0x2: {  	p0 =	sgt.u32 s1, $0x1  }
.Ltmp0:
0x3: {  	_ = 	snop;
	(pc) =	sbr.rel @p0 .LBB2_5-.Ltmp0, $4  }
0x4: {  	_ = 	snop  }
0x5: {  	s4 =	rddreg [dreg:$0x0];
	s2 =	simm.s32 $0x0  }
0x6: {  	[smem:$0x7FF] =	sst s2  }
0x7: {  	s0 =	rddreg [dreg:$0x1];
	_ =	strace $0x8000004A  }
0x8: {  	s3 =	srdreg.scid  }
0x9: {  	s7 =	sadd.s32 $0x4E600, s4;
	s11 =	simm.s32 $0xE80;
	s12 =	simm.s32 $0x1  }
0xa: {  	s13 =	simm.s32 $0xD00;
	s15 =	simm.s32 $0xD80;
	s5 =	sand.u32 $0x1, s3  }
0xb: {  	s16 =	simm.s32 $0xCE80;
	s17 =	simm.s32 $0xE00;
	s3 =	sshll.u32 s5, $0x1  }
0xc: {  	s18 =	simm.s32 $0x12E80;
	s19 =	simm.s32 $0x0;
	s6 =	sadd.s32 s1, s3  }
0xd: {  	s5 =	ssub.s32 $0x2, s5;
	s3 =	sadd.s32 $0xA3E00, s4;
	s9 =	smul.u32 $0x3000, s6  }
0xe: {  	s31 =	sshrl.u32 s5, $0x1;
	s8 =	sshll.u32 s6, $0x6;
	s10 =	smul.u32 $0x190, s6  }
0xf: {  	s14 =	smul.u32 $0xC40, s6;
	s8 =	sadd.s32 s8, s4;
	s30 =	sadd.s32 s9, s4  }
0x10: {  	s9 =	ssub.s32 s5, s31;
	s5 =	sadd.s32 $0x3400, s8;
	s6 =	sadd.s32 s7, s10  }
0x11: {  	v1 =	vlaneseq.u32;
	s8 =	simm.s32 $0x2;
	s10 =	simm.s32 $0x80;
	v0 =	vmov s14;
	s14 =	simm.s32 $0x6E80  }
0x12: {  	v2 =	vimm.s32 $0x0;
	vm0 =	vmmov $0x3;
	v3 =	vimm.s32 $0x3100;
	s4 =	sadd.s32 $0x4EE00, s30;
	s7 =	smax.u32 s9, $0x1;
	s9 =	simm.s32 $0xC80  }
.LBB2_2:
0x13: {  	s20 =	simm.s32 $0x0  }
0x14: {  	[tilespmem:s20], [sflag:$0x2] =	stream.linear.gather [hbm4b:s6+s20], $0xC80, $0x38;
	[tilespmem:$0x18E80] =	vst v63  }
0x15: {  	_ =	swait.ge [sflag:s8], $0xC80  }
0x16: {  	[sflag:s8] =	ssyncset.done $0x0  }
0x17: {  	[sflag:s8] =	ssyncadd.s32 $0xFFFFF380  }
0x18: {  	[tilespmem:$0xC80] =	vst v2  }
0x19: {  	[tilespmem:$0xC90] =	vst v2  }
0x1a: {  	[tilespmem:$0xCA0] =	vst v2  }
0x1b: {  	[tilespmem:$0xCB0] =	vst v2  }
0x1c: {  	[tilespmem:$0xCC0] =	vst v2  }
0x1d: {  	[tilespmem:$0xCD0] =	vst v2  }
0x1e: {  	[tilespmem:$0xCE0] =	vst v2  }
0x1f: {  	[tilespmem:$0xCF0] =	vst v2  }
0x20: {  	[tilespmem:$0xD00] =	vst v2  }
0x21: {  	[tilespmem:$0xD10] =	vst v2  }
0x22: {  	[tilespmem:$0xD20] =	vst v2  }
0x23: {  	[tilespmem:$0xD30] =	vst v2  }
0x24: {  	[tilespmem:$0xD40] =	vst v2  }
0x25: {  	[tilespmem:$0xD50] =	vst v2  }
0x26: {  	[tilespmem:$0xD60] =	vst v2  }
0x27: {  	[tilespmem:$0xD70] =	vst v2  }
0x28: {  	[tilespmem:$0xD80] =	vst v2  }
0x29: {  	[tilespmem:$0xD90] =	vst v2  }
0x2a: {  	[tilespmem:$0xDA0] =	vst v2  }
0x2b: {  	[tilespmem:$0xDB0] =	vst v2  }
0x2c: {  	[tilespmem:$0xDC0] =	vst v2  }
0x2d: {  	[tilespmem:$0xDD0] =	vst v2  }
0x2e: {  	[tilespmem:$0xDE0] =	vst v2  }
0x2f: {  	[tilespmem:$0xDF0] =	vst v2  }
0x30: {  	[tilespmem:$0xE00] =	vst v2  }
0x31: {  	[tilespmem:$0xE10] =	vst v2  }
0x32: {  	[tilespmem:$0xE20] =	vst v2  }
0x33: {  	[tilespmem:$0xE30] =	vst v2  }
0x34: {  	[tilespmem:$0xE40] =	vst v2  }
0x35: {  	[tilespmem:$0xE50] =	vst v2;
	v5 =	vld [tilespmem:$0xC50]  }
0x36: {  	[tilespmem:$0xE60] =	vst v2  }
0x37: {  	[tilespmem:$0xE70] =	vst v2;
	v4 =	vld [tilespmem:$0xC40]  }
0x38: {  	v6 =	vld [tilespmem:s20+$0x0];
	_ =	sdelay $0x1  }
0x39: {  	v5 =	vtrunc.f32 v5  }
0x3a: {  	v5 =	vcvt.f32.s32 v5  }
0x3b: {  	v8 =	vor.u32 s20, v1  }
0x3c: {  	vm1 =	veq.f32 v6, v4;
	vm2 =	vle.s32 v8, v5  }
0x3d: {  	vm3 =	vgt.f32 v6, v4;
	vm1 =	vmand vm2, vm1  }
0x3e: {  	vm1 =	vmor vm3, vm1  }
0x3f: {  	v6 =	vsel vm1, $0x1, v2  }
0x40: {  	(xrf0) =	vadd.scan.msk.s32 $0xffff, v6;
	_ =	sdelay $0x5  }
0x41: {  	v6, _, _ =	vpop (xrf0)  }
0x42: {  	v6 =	vadd.s32 v6, v2  }
0x43: {  	v6 =	vadd.s32 $0xFFFFFFFF, v6  }
0x44: {  	v7 =	vshra.s32 v6, $0x1F  }
0x45: {  	v7 =	vshrl.u32 v7, $0x19  }
0x46: {  	v7 =	vadd.s32 v7, v6  }
0x47: {  	v7 =	vshra.s32 v7, $0x7  }
0x48: {  	v9 =	vshll.u32 v7, $0x7  }
0x49: {  	vm2 =	vlt.s32 v6, $0x1;
	vm3 =	vne.s32 v6, v9  }
0x4a: {  	vm2 =	vmand vm2, vm3  }
0x4b: {  	v9 =	vsel vm2, $0xFFFFFFFF, v2  }
0x4c: {  	v7 =	vadd.s32 v9, v7  }
0x4d: {  	v9 =	vand.u32 $0x7F, v6;
	v7 =	vshll.u32 v7, $0x7  }
0x4e: {  	v7 =	vor.u32 v9, v7  }
0x4f: {  	v10 =	vmpcnt.ones.xlane vm1;
	_ =	sdelay $0x1  }
0x50: {  	s21 =	simm.s32 $0x10;
	v8 =	vadd.s32 v0, v8;
	v6 =	vadd.s32 v2, v10  }
.LBB2_3:
0x51: {  	p0 =	sne.s32 s21, $0xC30  }
0x52: {  	[tilespmem:v7+s9+$0x0] =	vst.idx.msk vm1, v8;
	s20 =	sadd.s32 $0x10, s20;
	v7 =	vmov v6;
	s22 =	smov.u32 s21;
	s21 =	sadd.s32 $0x10, s21  }
0x53: {  	v8 =	vld [tilespmem:s20+$0x0];
	_ =	sdelay $0x3  }
0x54: {  	v9 =	vor.u32 s22, v1  }
0x55: {  	vm2 =	vle.s32 v9, v5;
	vm1 =	veq.f32 v8, v4  }
0x56: {  	vm3 =	vgt.f32 v8, v4;
	vm1 =	vmand vm2, vm1  }
0x57: {  	vm1 =	vmor vm3, vm1  }
0x58: {  	v8 =	vsel vm1, $0x1, v2;
	v10 =	vmpcnt.ones.xlane vm1  }
0x59: {  	(xrf0) =	vadd.scan.msk.s32 $0xffff, v8  }
0x5a: {  	v6 =	vadd.s32 v6, v10;
	_ =	sdelay $0x4  }
0x5b: {  	v8, _, _ =	vpop (xrf0)  }
0x5c: {  	v7 =	vadd.s32 v8, v7  }
0x5d: {  	v7 =	vadd.s32 $0xFFFFFFFF, v7  }
0x5e: {  	v8 =	vshra.s32 v7, $0x1F  }
0x5f: {  	v8 =	vshrl.u32 v8, $0x19  }
0x60: {  	v8 =	vadd.s32 v8, v7  }
0x61: {  	v8 =	vshra.s32 v8, $0x7  }
0x62: {  	v10 =	vshll.u32 v8, $0x7  }
0x63: {  	vm2 =	vlt.s32 v7, $0x1;
	vm3 =	vne.s32 v7, v10  }
0x64: {  	vm2 =	vmand vm2, vm3  }
0x65: {  	v10 =	vsel vm2, $0xFFFFFFFF, v2  }
0x66: {  	v8 =	vadd.s32 v10, v8  }
0x67: {  	v7 =	vand.u32 $0x7F, v7;
	v8 =	vshll.u32 v8, $0x7  }
.Ltmp1:
0x68: {  	v7 =	vor.u32 v7, v8;
	(pc) =	sbr.rel @p0 .LBB2_3-.Ltmp1, $2  }
0x69: {  	_ =	sdelay $0x2  }
0x6a: {  	v8 =	vadd.s32 v0, v9  }
0x6b: {  	_ =	sdelay $0x4  }
0x6c: {  	[tilespmem:v7+s9+$0x0] =	vst.idx.msk vm1, v8  }
0x6d: {  	[tilespmem:s11], [sflag:$0x1] =	stream.indirect.gather [hbm4b:s3+s10], $0xC0, s9, s10, $0xb8;
	[tilespmem:$0x18E80] =	vst v63  }
0x6e: {  	_ =	swait.ge [sflag:s12], $0x6000  }
0x6f: {  	[sflag:s12] =	ssyncset.done $0x0  }
0x70: {  	[sflag:s12] =	ssyncadd.s32 $0xFFFFA000  }
0x71: {  	[tilespmem:s14], [sflag:$0x1] =	stream.indirect.gather [hbm4b:s3+s10], $0xC0, s13, s10, $0xb8;
	[tilespmem:$0x18E80] =	vst v63  }
0x72: {  	_ =	swait.ge [sflag:s12], $0x6000  }
0x73: {  	[sflag:s12] =	ssyncset.done $0x0  }
0x74: {  	[sflag:s12] =	ssyncadd.s32 $0xFFFFA000  }
0x75: {  	[tilespmem:s16], [sflag:$0x1] =	stream.indirect.gather [hbm4b:s3+s10], $0xC0, s15, s10, $0xb8;
	[tilespmem:$0x18E80] =	vst v63  }
0x76: {  	_ =	swait.ge [sflag:s12], $0x6000  }
0x77: {  	[sflag:s12] =	ssyncset.done $0x0  }
0x78: {  	[sflag:s12] =	ssyncadd.s32 $0xFFFFA000  }
0x79: {  	[tilespmem:s18], [sflag:$0x1] =	stream.indirect.gather [hbm4b:s3+s10], $0xC0, s17, s10, $0xb8;
	[tilespmem:$0x18E80] =	vst v63  }
0x7a: {  	_ =	swait.ge [sflag:s12], $0x6000  }
0x7b: {  	[sflag:s12] =	ssyncset.done $0x0  }
0x7c: {  	[sflag:s12] =	ssyncadd.s32 $0xFFFFA000  }
0x7d: {  	[hbm4b:s4+s2] =	stream.linear.scatter [tilespmem:s11], [sflag:$0x2], $0x18000, $0x38;
	[tilespmem:$0x18E80] =	vst v63  }
0x7e: {  	_ =	swait.ge [sflag:s8], $0x18000  }
0x7f: {  	[sflag:s8] =	ssyncset.done $0x0  }
0x80: {  	[sflag:s8] =	ssyncadd.s32 $0xFFFE8000  }
0x81: {  	v4 =	vld [tilespmem:$0xE40];
	_ =	sdelay $0x2  }
0x82: {  	[tilespmem:$0xE50] =	vst v3  }
0x83: {  	s19 =	sadd.s32 $0x1, s19;
	[tilespmem:$0xE60] =	vst v3  }
0x84: {  	p0 =	sne.s32 s19, s7;
	[tilespmem:$0xE70] =	vst v3;
	v4 =	vnsel vm0, $0x3100, v4  }
.Ltmp2:
0x85: {  	[tilespmem:$0xE40] =	vst v4;
	(pc) =	sbr.rel @p0 .LBB2_2-.Ltmp2, $4  }
0x86: {  	[hbm4b:s5+s2] =	stream.linear.scatter [tilespmem:s9], [sflag:$0x2], $0x200, $0x38;
	[tilespmem:$0x18E80] =	vst v63  }
0x87: {  	_ =	swait.ge [sflag:s8], $0x200  }
0x88: {  	[sflag:s8] =	ssyncset.done $0x0  }
0x89: {  	[sflag:s8] =	ssyncadd.s32 $0xFFFFFE00  }
.LBB2_5:
0x8a: {  	_ =	sfence.sel $0x180000  }
0x8b: {  	[bflag:$0x0] =	sbarrier.arrive $0xFFFF  }
0x8c: {  	p0 =	sne.s32 s1, $0x0;
	_ =	strace $0x9000004A  }
0x8d: {  	s0 =	sadd.s32 @!p0 $0x100000, s0;
	[bflag:$0x2] =	sbarrier.arrive $0xFFFF  }
0x8e: {  	[sflag:s0] =	ssyncadd.tile.s32 @!p0 $0x1;
	_ =	shalt  }
.Lfunc_end2:
_tile_overlayer_lowered:
.L_overlay_start_2:
0x8f: {  	(tag) =	ssettag $0x2  }
0x90: {  	s0 =	rddreg [dreg:$0x0];
	s2 =	stileid.u32  }
0x91: {  	s1 =	rddreg [dreg:$0x1];
	p0 =	sne.s32 s2, $0x0  }
0x92: {  	s3 =	rddreg [dreg:$0x2];
	[bflag:$0x3] =	sbarrier.arrive $0xFFFF;
	s2 =	simm.s32 @!p0 $0x1C02  }
0x93: {  	[timem:s3], [sflag:s2] =	dma.local @!p0 [hbm:s0], s1  }
0x94: {  	s0 =	simm.s32 @!p0 $0x2  }
0x95: {  	_ =	swait.ge @!p0 [sflag:s0], s1  }
0x96: {  	s1 =	ssub.s32 @!p0 $0x0, s1;
	[sflag:s0] =	ssyncset.done @!p0 $0x0  }
0x97: {  	[sflag:s0] =	ssyncadd.s32 @!p0 s1  }
0x98: {  	[bflag:$0x3] =	sbarrier.arrive $0xFFFF  }
0x99: {  	_ =	shalt  }

// kernel: kernel.14.cloned.1.call-start
scs
__scs_entry_jumppad:
0x0: {  	(pc) =	sbr.rel $0x88, $3  }
0x1: {  	(tag) =	ssettag $0x0;
	lr =	simm.s32 $0x1  }
0x2: {  	[smem:$0x3F99] =	sst lr;
	_ =	strace $0xD0000000  }
0x3: {  	_ = 	snop  }
0x4: {  	_ = 	snop  }
0x5: {  	_ = 	snop  }
0x6: {  	_ = 	snop  }
0x7: {  	_ = 	snop  }
__scs_overlays_trampoline_lowered:
0x8: {  	[smem:$0x3FA8] =	sst s0  }
0x9: {  	[smem:$0x3FA9] =	sst s1  }
0xa: {  	[smem:$0x3FAA] =	sst s2  }
0xb: {  	[smem:$0x3FAB] =	sst s3  }
0xc: {  	[smem:$0x3FAC] =	sst s4  }
0xd: {  	[smem:$0x3FAD] =	sst s5  }
0xe: {  	[smem:$0x3FAE] =	sst s6  }
0xf: {  	[smem:$0x3FAF] =	sst s7  }
0x10: {  	[smem:$0x3FB0] =	sst s8  }
0x11: {  	[smem:$0x3FB1] =	sst s9;
	s0 =	simm.s32 @!p0 $0x0  }
0x12: {  	s1 =	sld [smem:$0x3F97];
	s0 =	simm.s32 @p0 $0x1  }
0x13: {  	[smem:$0x3FB2] =	sst s0;
	s0 =	simm.s32 @!p1 $0x0  }
0x14: {  	s2 =	sld [smem:$0x3F96];
	s0 =	simm.s32 @p1 $0x1  }
0x15: {  	[smem:$0x3FB3] =	sst s0;
	s0 =	simm.s32 @!p2 $0x0  }
0x16: {  	s3 =	sld [smem:$0x3FDB];
	s0 =	simm.s32 @p2 $0x1  }
0x17: {  	s4 =	simm.s32 $0x1BF5;
	[smem:$0x3FB5] =	sst s0  }
0x18: {  	s0 =	sld [smem:$0x3F98];
	_ =	swait.ge [sflag:s4], $0x0  }
0x19: {  	s7 =	sld [smem:$0x3F99]  }
0x1a: {  	s8 =	sadd.s32 $0xFFFFE003, lr  }
0x1b: {  	s9 =	sadd.s32 $0xFFFFFEF7, lr;
	s5 =	simm.s32 $0xFFFFFFFF;
	p2 =	slt.u32 s8, $0xFFFFF086  }
0x1c: {  	p1 =	slt.u32 s9, $0xF7A;
	s5 =	simm.s32 @!p2 $0x0  }
0x1d: {  	s5 =	simm.s32 @p1 $0x1;
	p0 =	seq.s32 s7, s2  }
0x1e: {  	s7 =	smul.u32 @!p0 $0xF7A, s2;
	p2 =	seq.s32 @!p0 s5, $0x0  }
0x1f: {  	s9 =	smul.u32 $0xF7A, s1;
	s8 =	simm.s32 @!p0 $0x1BF5;
	p2 =	por !p2, p0  }
0x20: {  	[sflag:s8] =	ssyncset.s32 @!p0 $0xFFFFF086;
	s6 =	sadd.s32 @!p0 s3, s7;
	s7 =	simm.s32 @!p0 $0x108  }
0x21: {  	s3 =	sadd.s32 s3, s9;
	s6 =	sadd.s32 @!p0 $0x88, s6;
	s7 =	simm.s32 @p2 $0x1082  }
0x22: {  	[simem:s7], [sflag:s8] =	dma.local @!p0 [hbm:s6], $0xF7A  }
0x23: {  	s9 =	sor.u32 $0xD0000000, s2;
	s6 =	simm.s32 $0x108;
	_ =	swait.ge @!p0 [sflag:s8], $0x0  }
0x24: {  	s3 =	sadd.s32 $0x88, s3;
	s6 =	simm.s32 @!p1 $0x1082;
	[sflag:s4] =	ssyncset.s32 $0xFFFFF086  }
0x25: {  	[simem:s6], [sflag:s4] =	dma.local [hbm:s3], $0xF7A  }
0x26: {  	[smem:$0x3F99] =	sst s1;
	(tag) =	ssettag s2;
	_ =	strace s9  }
0x27: {  	s1 =	sld [smem:$0x3FA9]  }
0x28: {  	s2 =	sld [smem:$0x3FAA]  }
0x29: {  	s4 =	sld [smem:$0x3FAC]  }
0x2a: {  	p0 =	seq.s32 s5, $0x0;
	s5 =	sld [smem:$0x3FAD]  }
0x2b: {  	s6 =	sld [smem:$0x3FAE]  }
0x2c: {  	s7 =	sld [smem:$0x3FAF]  }
0x2d: {  	s3 =	simm.s32 $0x108;
	s8 =	sld [smem:$0x3FB0]  }
0x2e: {  	s3 =	simm.s32 @!p0 $0x1082;
	s9 =	sld [smem:$0x3FB1]  }
0x2f: {  	lr =	sadd.s32 s0, s3;
	s0 =	sld [smem:$0x3FA8]  }
0x30: {  	s3 =	sld [smem:$0x3FAB]  }
0x31: {  	[smem:$0x3FB4] =	sst s10  }
0x32: {  	s10 =	sld [smem:$0x3FB2];
	_ =	sdelay $0x3  }
0x33: {  	p0 =	seq.s32 s10, $0x1;
	s10 =	sld [smem:$0x3FB4];
	_ =	sdelay $0x3  }
0x34: {  	[smem:$0x3FB4] =	sst s10  }
0x35: {  	s10 =	sld [smem:$0x3FB3];
	_ =	sdelay $0x3  }
0x36: {  	p1 =	seq.s32 s10, $0x1;
	s10 =	sld [smem:$0x3FB4];
	_ =	sdelay $0x3  }
0x37: {  	[smem:$0x3FB4] =	sst s10  }
0x38: {  	s10 =	sld [smem:$0x3FB5]  }
0x39: {  	_ = 	snop;
	(pc) =	sbr.ind lr, $3  }
0x3a: {  	_ = 	snop  }
0x3b: {  	_ = 	snop  }
0x3c: {  	p2 =	seq.s32 s10, $0x1;
	s10 =	sld [smem:$0x3FB4]  }
0x3d: {  	_ =	shalt  }
0x3e: {  	_ =	shalt  }
0x3f: {  	_ =	shalt  }
0x40: {  	_ =	shalt  }
0x41: {  	_ =	shalt  }
0x42: {  	_ =	shalt  }
0x43: {  	_ =	shalt  }
0x44: {  	_ =	shalt  }
0x45: {  	_ =	shalt  }
0x46: {  	_ =	shalt  }
0x47: {  	_ =	shalt  }
0x48: {  	_ =	shalt  }
0x49: {  	_ =	shalt  }
0x4a: {  	_ =	shalt  }
0x4b: {  	_ =	shalt  }
0x4c: {  	_ =	shalt  }
0x4d: {  	_ =	shalt  }
0x4e: {  	_ =	shalt  }
0x4f: {  	_ =	shalt  }
0x50: {  	_ =	shalt  }
0x51: {  	_ =	shalt  }
0x52: {  	_ =	shalt  }
0x53: {  	_ =	shalt  }
0x54: {  	_ =	shalt  }
0x55: {  	_ =	shalt  }
0x56: {  	_ =	shalt  }
0x57: {  	_ =	shalt  }
0x58: {  	_ =	shalt  }
0x59: {  	_ =	shalt  }
0x5a: {  	_ =	shalt  }
0x5b: {  	_ =	shalt  }
0x5c: {  	_ =	shalt  }
0x5d: {  	_ =	shalt  }
0x5e: {  	_ =	shalt  }
0x5f: {  	_ =	shalt  }
0x60: {  	_ =	shalt  }
0x61: {  	_ =	shalt  }
0x62: {  	_ =	shalt  }
0x63: {  	_ =	shalt  }
0x64: {  	_ =	shalt  }
0x65: {  	_ =	shalt  }
0x66: {  	_ =	shalt  }
0x67: {  	_ =	shalt  }
0x68: {  	_ =	shalt  }
0x69: {  	_ =	shalt  }
0x6a: {  	_ =	shalt  }
0x6b: {  	_ =	shalt  }
0x6c: {  	_ =	shalt  }
0x6d: {  	_ =	shalt  }
0x6e: {  	_ =	shalt  }
0x6f: {  	_ =	shalt  }
0x70: {  	_ =	shalt  }
0x71: {  	_ =	shalt  }
0x72: {  	_ =	shalt  }
0x73: {  	_ =	shalt  }
0x74: {  	_ =	shalt  }
0x75: {  	_ =	shalt  }
0x76: {  	_ =	shalt  }
0x77: {  	_ =	shalt  }
0x78: {  	_ =	shalt  }
0x79: {  	_ =	shalt  }
0x7a: {  	_ =	shalt  }
0x7b: {  	_ =	shalt  }
0x7c: {  	_ =	shalt  }
0x7d: {  	_ =	shalt  }
0x7e: {  	_ =	shalt  }
0x7f: {  	_ =	shalt  }
0x80: {  	_ =	shalt  }
0x81: {  	_ =	shalt  }
0x82: {  	_ =	shalt  }
0x83: {  	_ =	shalt  }
0x84: {  	_ =	shalt  }
0x85: {  	_ =	shalt  }
0x86: {  	_ =	shalt  }
0x87: {  	_ =	shalt  }
.Lfunc_end0:
.L_simem_size_0:
called_computation.2_lowered:
.L_overlay_start_0:
0x88: {  	s2 =	sld [smem:$0x3FD9]  }
0x89: {  	s3 =	sld [smem:$0x3FFE];
	_ =	sdelay $0x1  }
0x8a: {  	s1 =	srdreg.scid  }
0x8b: {  	s0 =	sand.u32 $0x1, s1  }
0x8c: {  	s17 =	sshll.u32 s0, $0xA;
	s2 =	sadd.s32 s3, s2  }
0x8d: {  	s2 =	sadd.s32 s2, s17  }
0x8e: {  	[smem:$0x3FC0] =	sst s2  }
0x8f: {  	_ = 	snop  }
0x90: {  	s2 =	sld [smem:$0x3FD0];
	(tm) =	ssettm $0x1  }
0x91: {  	s18 =	sld [smem:$0x3FFB];
	_ =	sdelay $0x3  }
0x92: {  	_ =	strace s18  }
0x93: {  	s3 =	sld [smem:$0x3FFC];
	_ =	sdelay $0x3  }
0x94: {  	_ =	strace s3  }
0x95: {  	s3 =	sld [smem:$0x3FFD];
	_ =	sdelay $0x3  }
0x96: {  	_ =	strace s3  }
0x97: {  	_ =	strace $0x8FFFFFFF  }
0x98: {  	s19 =	sld [smem:$0x3FDB];
	_ =	sdelay $0x1  }
0x99: {  	s4 =	simm.s32 $_scs_section_size  }
0x9a: {  	s5 =	simm.s32 $_size__tile_overlayer_lowered;
	s6 =	simm.s32 $_tile_overlayer_lowered  }
0x9b: {  	s22 =	simm.s32 $0x1BFF;
	s21 =	sshll.u32 s6, $0x1;
	s3 =	sadd.s32 s4, s19  }
0x9c: {  	s7 =	simm.s32 $0x0;
	s20 =	sshll.u32 s5, $0x1;
	s5 =	sadd.s32 s21, s3  }
0x9d: {  	[timem:s7], [sflag:s22] =	dma.local [hbm:s5], s20  }
0x9e: {  	_ =	swait.ge [sflag:s22], s20  }
0x9f: {  	s4 =	ssub.s32 $0x0, s20;
	[sflag:s22] =	ssyncset.done $0x0  }
0xa0: {  	[sflag:s22] =	ssyncadd.s32 s4;
	_ =	sdelay $0x1  }
0xa1: {  	s23 =	simm.s32 $0x1B8B  }
0xa2: {  	_ =	swait.ge [sflag:s23], $0x1  }
0xa3: {  	[sflag:s23] =	ssyncset.done $0x0  }
0xa4: {  	s25 =	simm.s32 $0x1B8E;
	s24 =	sld [smem:$0x3FFE];
	[sflag:s23] =	ssyncadd.s32 $0xFFFFFFFF  }
0xa5: {  	s26 =	simm.s32 $execute0_lowered;
	[smem:$0x3FD2] =	sst s25  }
0xa6: {  	s5 =	sshll.u32 s26, $0x1;
	_ =	strace $0x8000004C;
	[dreg:$0x1] =	wrdreg $0xFFFFFFFF  }
0xa7: {  	s28 =	simm.s32 $_size_execute0_lowered;
	s3 =	sadd.s32 s3, s5;
	[dreg:$0x0] =	wrdreg $0x0  }
0xa8: {  	s5 =	sshll.u32 s28, $0x1;
	[dreg:$0x2] =	wrdreg s3  }
0xa9: {  	[dreg:$0x3] =	wrdreg s5  }
0xaa: {  	[dreg:$0x4] =	wrdreg $0xC0  }
0xab: {  	_ =	task [dreg:s7], $0x5FFFF  }
0xac: {  	[dreg:$0x1] =	wrdreg $0xFFFFFFFF  }
0xad: {  	[dreg:$0x0] =	wrdreg $0x60  }
0xae: {  	[dreg:$0x2] =	wrdreg s24  }
0xaf: {  	[dreg:$0x3] =	wrdreg s2  }
0xb0: {  	[dreg:$0x4] =	wrdreg $0x9  }
0xb1: {  	_ =	task.clear_ibuf [dreg:s7], $0x5FFFF;
	_ =	strace $0x9000004C  }
0xb2: {  	s29 =	simm.s32 $0x9;
	_ =	strace $0x8000004E  }
0xb3: {  	_ =	swait.ge [sflag:s29], $0x1  }
0xb4: {  	[sflag:s29] =	ssyncadd.s32 $0xFFFFFFFF  }
0xb5: {  	_ =	strace $0x9000004E  }
0xb6: {  	_ =	sfence  }
0xb7: {  	s30 =	sld [smem:$0x0];
	_ =	sdelay $0x2  }
0xb8: {  	s31 =	sshll.u32 s1, $0xD;
	s1 =	sshrl.u32 s1, $0x2  }
0xb9: {  	s3 =	sand.u32 $0x4000, s31;
	s1 =	sadd.s32 s1, s30  }
0xba: {  	s0 =	sor.u32 s3, s0;
	s1 =	sshll.u32 s1, $0x11  }
0xbb: {  	s0 =	sor.u32 s1, s0  }
0xbc: {  	s0 =	sadd.s32 $0x8F2B, s0  }
0xbd: {  	[sflag:s0] =	ssyncadd.remote.s32 $0x1  }
0xbe: {  	_ =	sfence.sel $0xFFFF  }
0xbf: {  	[dreg:$0x0] =	wrdreg $0xFFFFFFFF;
	(pc) =	sbr.abs _section_cstart, $3  }
0xc0: {  	[dreg:$0x1] =	wrdreg $0xFFFFFFFF  }
0xc1: {  	_ =	task.clear_ibuf [dreg:s7], $0x2FFFF;
	_ =	strace $0x9FFFFFFF  }
0xc2: {  	(tm) =	ssettm $0x7FFFFFFF  }
0xc3: {  	_ =	shalt  }
tec
execute0_lowered:
.L_overlay_start_1:
0x0: {  	(tag) =	ssettag $0x1  }
0x1: {  	s0 =	srdreg.scid;
	s4 =	rddreg [dreg:$0x0]  }
0x2: {  	s2 =	rddreg [dreg:$0x1];
	s1 =	stileid.u32;
	s17 =	simm.s32 $0xC0  }
0x3: {  	s18 =	simm.s32 $0x2;
	s19 =	simm.s32 $0x2AC0;
	s20 =	simm.s32 $0x2B00  }
0x4: {  	s21 =	simm.s32 $0x40;
	s22 =	simm.s32 $0x0;
	s5 =	sand.u32 $0x1, s0  }
0x5: {  	s0 =	rddreg [dreg:$0x2];
	s7 =	sand.u32 $0x7, s1;
	s14 =	sadd.s32 $0x3600, s4  }
0x6: {  	s10 =	sshll.u32 s1, $0x6;
	s3 =	sshll.u32 s5, $0x4;
	p1 =	sne.s32 s7, $0x0  }
0x7: {  	s7 =	simm.s32 $0x1;
	s9 =	sshll.u32 s5, $0xA;
	s5 =	ssub.s32 $0x2, s5  }
0x8: {  	s6 =	sor.u32 s1, s3;
	s3 =	simm.s32 $0x0;
	s11 =	sor.u32 s10, s9  }
0x9: {  	s26 =	sshrl.u32 s5, $0x1;
	p0 =	seq.s32 s6, $0x0;
	[smem:$0x7FF] =	sst s3  }
0xa: {  	s8 =	sshrl.u32 s6, $0x3;
	s25 =	sshrl.u32 s11, $0x3;
	s28 =	smul.u32 $0x12600, s6  }
0xb: {  	s15 =	ssub.s32 s5, s26;
	s6 =	smul.u32 $0x24C0, s6;
	p0 =	por !p1, !p0  }
0xc: {  	s16 =	smul.u32 $0x18, s11;
	_ =	strace $0x8000004D;
	p0 =	por !p0, !p0  }
0xd: {  	s13 =	sadd.s32 s25, s4;
	s4 =	simm.s32 $0x1;
	s7 =	simm.s32 @!p0 $0x0  }
0xe: {  	s15 =	smax.u32 s15, $0x1;
	s31 =	sshrl.u32 s28, $0x3;
	s7 =	ssub.s32 s8, s7  }
0xf: {  	s6 =	sadd.s32 s2, s6;
	s12 =	sadd.s32 s2, s31;
	s7 =	smul.u32 $0x18000, s7  }
0x10: {  	s13 =	sadd.s32 $0x3400, s13;
	s8 =	sadd.s32 $0xA80, s12;
	s9 =	sadd.s32 $0xFC0, s12  }
0x11: {  	s10 =	sadd.s32 $0x1500, s12;
	s11 =	sadd.s32 $0x1A40, s12;
	s29 =	sadd.s32 $0x15180, s7  }
0x12: {  	s7 =	sadd.s32 $0x540, s12;
	s12 =	sadd.s32 $0x1F80, s12;
	s30 =	sshrl.u32 s29, $0x3  }
0x13: {  	s5 =	sadd.s32 s14, s30;
	s14 =	sadd.s32 s14, s16;
	s16 =	simm.s32 $0x3  }
.LBB2_1:
0x14: {  	[tilespmem:s3], [sflag:$0x3] =	stream.linear.gather [hbm4b:s5+s3], $0xC0, $0x38;
	[tilespmem:$0x5B00] =	vst v63  }
0x15: {  	_ =	swait.ge [sflag:s16], $0xC0  }
0x16: {  	[sflag:s16] =	ssyncset.done $0x0  }
0x17: {  	[sflag:s16] =	ssyncadd.s32 $0xFFFFFF40  }
0x18: {  	s23 =	simm.s32 $0x300;
	s24 =	simm.s32 $0x0;
	v0 =	vld [tilespmem:$0x0]  }
.LBB2_2:
0x19: {  	p0 =	sne.s32 s23, $0xA500;
	_ =	sdelay $0x2  }
0x1a: {  	s25 =	sshra.s32 s24, $0x2;
	s24 =	smov.u32 s23  }
0x1b: {  	[tilespmem:s25+$0xC0] =	vst v0  }
0x1c: {  	v0 =	vld [tilespmem:$0x10];
	_ =	sdelay $0x4  }
0x1d: {  	[tilespmem:s25+$0xD0] =	vst v0  }
0x1e: {  	v0 =	vld [tilespmem:$0x20];
	_ =	sdelay $0x4  }
0x1f: {  	[tilespmem:s25+$0xE0] =	vst v0  }
0x20: {  	v0 =	vld [tilespmem:$0x30];
	_ =	sdelay $0x4  }
0x21: {  	[tilespmem:s25+$0xF0] =	vst v0  }
0x22: {  	v0 =	vld [tilespmem:$0x40];
	_ =	sdelay $0x4  }
0x23: {  	[tilespmem:s25+$0x100] =	vst v0  }
0x24: {  	v0 =	vld [tilespmem:$0x50];
	_ =	sdelay $0x4  }
0x25: {  	[tilespmem:s25+$0x110] =	vst v0  }
0x26: {  	v0 =	vld [tilespmem:$0x60];
	_ =	sdelay $0x4  }
0x27: {  	[tilespmem:s25+$0x120] =	vst v0  }
0x28: {  	v0 =	vld [tilespmem:$0x70];
	_ =	sdelay $0x4  }
0x29: {  	[tilespmem:s25+$0x130] =	vst v0  }
0x2a: {  	v0 =	vld [tilespmem:$0x80];
	_ =	sdelay $0x4  }
0x2b: {  	[tilespmem:s25+$0x140] =	vst v0  }
0x2c: {  	v0 =	vld [tilespmem:$0x90];
	_ =	sdelay $0x4  }
0x2d: {  	[tilespmem:s25+$0x150] =	vst v0  }
0x2e: {  	v0 =	vld [tilespmem:$0xA0];
	_ =	sdelay $0x4  }
0x2f: {  	[tilespmem:s25+$0x160] =	vst v0  }
0x30: {  	v0 =	vld [tilespmem:$0xB0];
	_ =	sdelay $0x1  }
.Ltmp0:
0x31: {  	(pc) =	sbr.rel @p0 .LBB2_2-.Ltmp0, $3  }
0x32: {  	_ =	sdelay $0x1  }
0x33: {  	[tilespmem:s25+$0x170] =	vst v0  }
0x34: {  	s23 =	sadd.s32 $0x300, s23;
	v0 =	vld [tilespmem:$0x0]  }
0x35: {  	_ =	sdelay $0x2  }
0x36: {  	s23 =	sshra.s32 s24, $0x2  }
0x37: {  	[tilespmem:s23+$0xC0] =	vst v0  }
0x38: {  	v0 =	vld [tilespmem:$0x10];
	_ =	sdelay $0x4  }
0x39: {  	[tilespmem:s23+$0xD0] =	vst v0  }
0x3a: {  	v0 =	vld [tilespmem:$0x20];
	_ =	sdelay $0x4  }
0x3b: {  	[tilespmem:s23+$0xE0] =	vst v0  }
0x3c: {  	v0 =	vld [tilespmem:$0x30];
	_ =	sdelay $0x4  }
0x3d: {  	[tilespmem:s23+$0xF0] =	vst v0  }
0x3e: {  	v0 =	vld [tilespmem:$0x40];
	_ =	sdelay $0x4  }
0x3f: {  	[tilespmem:s23+$0x100] =	vst v0  }
0x40: {  	v0 =	vld [tilespmem:$0x50];
	_ =	sdelay $0x4  }
0x41: {  	[tilespmem:s23+$0x110] =	vst v0  }
0x42: {  	v0 =	vld [tilespmem:$0x60];
	_ =	sdelay $0x4  }
0x43: {  	[tilespmem:s23+$0x120] =	vst v0  }
0x44: {  	v0 =	vld [tilespmem:$0x70];
	_ =	sdelay $0x4  }
0x45: {  	[tilespmem:s23+$0x130] =	vst v0  }
0x46: {  	v0 =	vld [tilespmem:$0x80];
	_ =	sdelay $0x4  }
0x47: {  	[tilespmem:s23+$0x140] =	vst v0  }
0x48: {  	v0 =	vld [tilespmem:$0x90];
	_ =	sdelay $0x4  }
0x49: {  	[tilespmem:s23+$0x150] =	vst v0  }
0x4a: {  	v0 =	vld [tilespmem:$0xA0];
	_ =	sdelay $0x4  }
0x4b: {  	[tilespmem:s23+$0x160] =	vst v0  }
0x4c: {  	v0 =	vld [tilespmem:$0xB0];
	_ =	sdelay $0x4  }
0x4d: {  	[tilespmem:s23+$0x170] =	vst v0  }
0x4e: {  	[hbm4b:s6+s3] =	stream.linear.scatter [tilespmem:s17], [sflag:$0x2], $0x2A00, $0x38;
	[tilespmem:$0x5B00] =	vst v63  }
0x4f: {  	_ = 	snop  }
0x50: {  	[hbm4b:s7+s3] =	stream.linear.scatter [tilespmem:s17], [sflag:$0x2], $0x2A00, $0x38;
	[tilespmem:$0x5B00] =	vst v63  }
0x51: {  	_ = 	snop  }
0x52: {  	[hbm4b:s8+s3] =	stream.linear.scatter [tilespmem:s17], [sflag:$0x2], $0x2A00, $0x38;
	[tilespmem:$0x5B00] =	vst v63  }
0x53: {  	_ = 	snop  }
0x54: {  	[hbm4b:s9+s3] =	stream.linear.scatter [tilespmem:s17], [sflag:$0x2], $0x2A00, $0x38;
	[tilespmem:$0x5B00] =	vst v63  }
0x55: {  	_ = 	snop  }
0x56: {  	[hbm4b:s10+s3] =	stream.linear.scatter [tilespmem:s17], [sflag:$0x2], $0x2A00, $0x38;
	[tilespmem:$0x5B00] =	vst v63  }
0x57: {  	_ = 	snop  }
0x58: {  	[hbm4b:s11+s3] =	stream.linear.scatter [tilespmem:s17], [sflag:$0x2], $0x2A00, $0x38;
	[tilespmem:$0x5B00] =	vst v63  }
0x59: {  	_ = 	snop  }
0x5a: {  	[hbm4b:s12+s3] =	stream.linear.scatter [tilespmem:s17], [sflag:$0x2], $0x2A00, $0x38;
	[tilespmem:$0x5B00] =	vst v63  }
0x5b: {  	_ =	swait.ge [sflag:s18], $0x2A00  }
0x5c: {  	[sflag:s18] =	ssyncset.done $0x0  }
0x5d: {  	[sflag:s18] =	ssyncadd.s32 $0xFFFFD600  }
0x5e: {  	_ =	swait.ge [sflag:s18], $0x2A00  }
0x5f: {  	[sflag:s18] =	ssyncset.done $0x0  }
0x60: {  	[sflag:s18] =	ssyncadd.s32 $0xFFFFD600  }
0x61: {  	_ =	swait.ge [sflag:s18], $0x2A00  }
0x62: {  	[sflag:s18] =	ssyncset.done $0x0  }
0x63: {  	[sflag:s18] =	ssyncadd.s32 $0xFFFFD600  }
0x64: {  	_ =	swait.ge [sflag:s18], $0x2A00  }
0x65: {  	[sflag:s18] =	ssyncset.done $0x0  }
0x66: {  	[sflag:s18] =	ssyncadd.s32 $0xFFFFD600  }
0x67: {  	_ =	swait.ge [sflag:s18], $0x2A00  }
0x68: {  	[sflag:s18] =	ssyncset.done $0x0  }
0x69: {  	[sflag:s18] =	ssyncadd.s32 $0xFFFFD600  }
0x6a: {  	_ =	swait.ge [sflag:s18], $0x2A00  }
0x6b: {  	[sflag:s18] =	ssyncset.done $0x0  }
0x6c: {  	[sflag:s18] =	ssyncadd.s32 $0xFFFFD600  }
0x6d: {  	_ =	swait.ge [sflag:s18], $0x2A00  }
0x6e: {  	[sflag:s18] =	ssyncset.done $0x0  }
0x6f: {  	[sflag:s18] =	ssyncadd.s32 $0xFFFFD600  }
0x70: {  	[bflag:$0x0] =	sbarrier.arrive $0xFFFF  }
0x71: {  	[tilespmem:s19], [sflag:$0x3] =	stream.linear.gather [hbm4b:s13+s3], $0x40, $0x38;
	[tilespmem:$0x5B00] =	vst v63  }
0x72: {  	_ =	swait.ge [sflag:s16], $0x40  }
0x73: {  	[sflag:s16] =	ssyncset.done $0x0  }
0x74: {  	[sflag:s16] =	ssyncadd.s32 $0xFFFFFFC0  }
0x75: {  	[tilespmem:s20], [sflag:$0x3] =	stream.linear.gather [hbm4b:s14+s3], $0x3000, $0x38;
	[tilespmem:$0x5B00] =	vst v63  }
0x76: {  	s22 =	sadd.s32 $0x1, s22;
	_ =	swait.ge [sflag:s16], $0x3000  }
0x77: {  	p0 =	sne.s32 s22, s15;
	[sflag:s16] =	ssyncset.done $0x0  }
.Ltmp1:
0x78: {  	[sflag:s16] =	ssyncadd.s32 $0xFFFFD000;
	(pc) =	sbr.rel @p0 .LBB2_1-.Ltmp1, $4  }
0x79: {  	[hbm4b:s2+s21] =	stream.indirect.scatter [tilespmem:s20], [sflag:$0x1], $0xC0, s19, s21, $0xb8;
	[tilespmem:$0x5B00] =	vst v63  }
0x7a: {  	_ =	swait.ge [sflag:s4], $0x3000  }
0x7b: {  	[sflag:s4] =	ssyncset.done $0x0  }
0x7c: {  	[sflag:s4] =	ssyncadd.s32 $0xFFFFD000  }
0x7d: {  	_ =	sfence.sel $0x180000  }
0x7e: {  	[bflag:$0x0] =	sbarrier.arrive $0xFFFF  }
0x7f: {  	p0 =	sne.s32 s1, $0x0;
	_ =	strace $0x9000004D  }
0x80: {  	s0 =	sadd.s32 @!p0 $0x100000, s0;
	[bflag:$0x2] =	sbarrier.arrive $0xFFFF  }
0x81: {  	[sflag:s0] =	ssyncadd.tile.s32 @!p0 $0x1;
	_ =	shalt  }
.Lfunc_end2:
_tile_overlayer_lowered:
.L_overlay_start_2:
0x82: {  	(tag) =	ssettag $0x2  }
0x83: {  	s0 =	rddreg [dreg:$0x0];
	s2 =	stileid.u32  }
0x84: {  	s1 =	rddreg [dreg:$0x1];
	p0 =	sne.s32 s2, $0x0  }
0x85: {  	s3 =	rddreg [dreg:$0x2];
	[bflag:$0x3] =	sbarrier.arrive $0xFFFF;
	s2 =	simm.s32 @!p0 $0x1C03  }
0x86: {  	[timem:s3], [sflag:s2] =	dma.local @!p0 [hbm:s0], s1  }
0x87: {  	s0 =	simm.s32 @!p0 $0x3  }
0x88: {  	_ =	swait.ge @!p0 [sflag:s0], s1  }
0x89: {  	s1 =	ssub.s32 @!p0 $0x0, s1;
	[sflag:s0] =	ssyncset.done @!p0 $0x0  }
0x8a: {  	[sflag:s0] =	ssyncadd.s32 @!p0 s1  }
0x8b: {  	[bflag:$0x3] =	sbarrier.arrive $0xFFFF  }
0x8c: {  	_ =	shalt  }

// kernel: kernel.8.cloned.1.call-start
scs
__scs_entry_jumppad:
0x0: {  	(pc) =	sbr.rel $0x88, $3  }
0x1: {  	(tag) =	ssettag $0x0;
	lr =	simm.s32 $0x1  }
0x2: {  	[smem:$0x3F99] =	sst lr;
	_ =	strace $0xD0000000  }
0x3: {  	_ = 	snop  }
0x4: {  	_ = 	snop  }
0x5: {  	_ = 	snop  }
0x6: {  	_ = 	snop  }
0x7: {  	_ = 	snop  }
__scs_overlays_trampoline_lowered:
0x8: {  	[smem:$0x3FA8] =	sst s0  }
0x9: {  	[smem:$0x3FA9] =	sst s1  }
0xa: {  	[smem:$0x3FAA] =	sst s2  }
0xb: {  	[smem:$0x3FAB] =	sst s3  }
0xc: {  	[smem:$0x3FAC] =	sst s4  }
0xd: {  	[smem:$0x3FAD] =	sst s5  }
0xe: {  	[smem:$0x3FAE] =	sst s6  }
0xf: {  	[smem:$0x3FAF] =	sst s7  }
0x10: {  	[smem:$0x3FB0] =	sst s8  }
0x11: {  	[smem:$0x3FB1] =	sst s9;
	s0 =	simm.s32 @!p0 $0x0  }
0x12: {  	s1 =	sld [smem:$0x3F97];
	s0 =	simm.s32 @p0 $0x1  }
0x13: {  	[smem:$0x3FB2] =	sst s0;
	s0 =	simm.s32 @!p1 $0x0  }
0x14: {  	s2 =	sld [smem:$0x3F96];
	s0 =	simm.s32 @p1 $0x1  }
0x15: {  	[smem:$0x3FB3] =	sst s0;
	s0 =	simm.s32 @!p2 $0x0  }
0x16: {  	s3 =	sld [smem:$0x3FDB];
	s0 =	simm.s32 @p2 $0x1  }
0x17: {  	s4 =	simm.s32 $0x1BF5;
	[smem:$0x3FB5] =	sst s0  }
0x18: {  	s0 =	sld [smem:$0x3F98];
	_ =	swait.ge [sflag:s4], $0x0  }
0x19: {  	s7 =	sld [smem:$0x3F99]  }
0x1a: {  	s8 =	sadd.s32 $0xFFFFE003, lr  }
0x1b: {  	s9 =	sadd.s32 $0xFFFFFEF7, lr;
	s5 =	simm.s32 $0xFFFFFFFF;
	p2 =	slt.u32 s8, $0xFFFFF086  }
0x1c: {  	p1 =	slt.u32 s9, $0xF7A;
	s5 =	simm.s32 @!p2 $0x0  }
0x1d: {  	s5 =	simm.s32 @p1 $0x1;
	p0 =	seq.s32 s7, s2  }
0x1e: {  	s7 =	smul.u32 @!p0 $0xF7A, s2;
	p2 =	seq.s32 @!p0 s5, $0x0  }
0x1f: {  	s9 =	smul.u32 $0xF7A, s1;
	s8 =	simm.s32 @!p0 $0x1BF5;
	p2 =	por !p2, p0  }
0x20: {  	[sflag:s8] =	ssyncset.s32 @!p0 $0xFFFFF086;
	s6 =	sadd.s32 @!p0 s3, s7;
	s7 =	simm.s32 @!p0 $0x108  }
0x21: {  	s3 =	sadd.s32 s3, s9;
	s6 =	sadd.s32 @!p0 $0x88, s6;
	s7 =	simm.s32 @p2 $0x1082  }
0x22: {  	[simem:s7], [sflag:s8] =	dma.local @!p0 [hbm:s6], $0xF7A  }
0x23: {  	s9 =	sor.u32 $0xD0000000, s2;
	s6 =	simm.s32 $0x108;
	_ =	swait.ge @!p0 [sflag:s8], $0x0  }
0x24: {  	s3 =	sadd.s32 $0x88, s3;
	s6 =	simm.s32 @!p1 $0x1082;
	[sflag:s4] =	ssyncset.s32 $0xFFFFF086  }
0x25: {  	[simem:s6], [sflag:s4] =	dma.local [hbm:s3], $0xF7A  }
0x26: {  	[smem:$0x3F99] =	sst s1;
	(tag) =	ssettag s2;
	_ =	strace s9  }
0x27: {  	s1 =	sld [smem:$0x3FA9]  }
0x28: {  	s2 =	sld [smem:$0x3FAA]  }
0x29: {  	s4 =	sld [smem:$0x3FAC]  }
0x2a: {  	p0 =	seq.s32 s5, $0x0;
	s5 =	sld [smem:$0x3FAD]  }
0x2b: {  	s6 =	sld [smem:$0x3FAE]  }
0x2c: {  	s7 =	sld [smem:$0x3FAF]  }
0x2d: {  	s3 =	simm.s32 $0x108;
	s8 =	sld [smem:$0x3FB0]  }
0x2e: {  	s3 =	simm.s32 @!p0 $0x1082;
	s9 =	sld [smem:$0x3FB1]  }
0x2f: {  	lr =	sadd.s32 s0, s3;
	s0 =	sld [smem:$0x3FA8]  }
0x30: {  	s3 =	sld [smem:$0x3FAB]  }
0x31: {  	[smem:$0x3FB4] =	sst s10  }
0x32: {  	s10 =	sld [smem:$0x3FB2];
	_ =	sdelay $0x3  }
0x33: {  	p0 =	seq.s32 s10, $0x1;
	s10 =	sld [smem:$0x3FB4];
	_ =	sdelay $0x3  }
0x34: {  	[smem:$0x3FB4] =	sst s10  }
0x35: {  	s10 =	sld [smem:$0x3FB3];
	_ =	sdelay $0x3  }
0x36: {  	p1 =	seq.s32 s10, $0x1;
	s10 =	sld [smem:$0x3FB4];
	_ =	sdelay $0x3  }
0x37: {  	[smem:$0x3FB4] =	sst s10  }
0x38: {  	s10 =	sld [smem:$0x3FB5]  }
0x39: {  	_ = 	snop;
	(pc) =	sbr.ind lr, $3  }
0x3a: {  	_ = 	snop  }
0x3b: {  	_ = 	snop  }
0x3c: {  	p2 =	seq.s32 s10, $0x1;
	s10 =	sld [smem:$0x3FB4]  }
0x3d: {  	_ =	shalt  }
0x3e: {  	_ =	shalt  }
0x3f: {  	_ =	shalt  }
0x40: {  	_ =	shalt  }
0x41: {  	_ =	shalt  }
0x42: {  	_ =	shalt  }
0x43: {  	_ =	shalt  }
0x44: {  	_ =	shalt  }
0x45: {  	_ =	shalt  }
0x46: {  	_ =	shalt  }
0x47: {  	_ =	shalt  }
0x48: {  	_ =	shalt  }
0x49: {  	_ =	shalt  }
0x4a: {  	_ =	shalt  }
0x4b: {  	_ =	shalt  }
0x4c: {  	_ =	shalt  }
0x4d: {  	_ =	shalt  }
0x4e: {  	_ =	shalt  }
0x4f: {  	_ =	shalt  }
0x50: {  	_ =	shalt  }
0x51: {  	_ =	shalt  }
0x52: {  	_ =	shalt  }
0x53: {  	_ =	shalt  }
0x54: {  	_ =	shalt  }
0x55: {  	_ =	shalt  }
0x56: {  	_ =	shalt  }
0x57: {  	_ =	shalt  }
0x58: {  	_ =	shalt  }
0x59: {  	_ =	shalt  }
0x5a: {  	_ =	shalt  }
0x5b: {  	_ =	shalt  }
0x5c: {  	_ =	shalt  }
0x5d: {  	_ =	shalt  }
0x5e: {  	_ =	shalt  }
0x5f: {  	_ =	shalt  }
0x60: {  	_ =	shalt  }
0x61: {  	_ =	shalt  }
0x62: {  	_ =	shalt  }
0x63: {  	_ =	shalt  }
0x64: {  	_ =	shalt  }
0x65: {  	_ =	shalt  }
0x66: {  	_ =	shalt  }
0x67: {  	_ =	shalt  }
0x68: {  	_ =	shalt  }
0x69: {  	_ =	shalt  }
0x6a: {  	_ =	shalt  }
0x6b: {  	_ =	shalt  }
0x6c: {  	_ =	shalt  }
0x6d: {  	_ =	shalt  }
0x6e: {  	_ =	shalt  }
0x6f: {  	_ =	shalt  }
0x70: {  	_ =	shalt  }
0x71: {  	_ =	shalt  }
0x72: {  	_ =	shalt  }
0x73: {  	_ =	shalt  }
0x74: {  	_ =	shalt  }
0x75: {  	_ =	shalt  }
0x76: {  	_ =	shalt  }
0x77: {  	_ =	shalt  }
0x78: {  	_ =	shalt  }
0x79: {  	_ =	shalt  }
0x7a: {  	_ =	shalt  }
0x7b: {  	_ =	shalt  }
0x7c: {  	_ =	shalt  }
0x7d: {  	_ =	shalt  }
0x7e: {  	_ =	shalt  }
0x7f: {  	_ =	shalt  }
0x80: {  	_ =	shalt  }
0x81: {  	_ =	shalt  }
0x82: {  	_ =	shalt  }
0x83: {  	_ =	shalt  }
0x84: {  	_ =	shalt  }
0x85: {  	_ =	shalt  }
0x86: {  	_ =	shalt  }
0x87: {  	_ =	shalt  }
.Lfunc_end0:
.L_simem_size_0:
called_computation_lowered:
.L_overlay_start_0:
0x88: {  	s2 =	sld [smem:$0x3FD9]  }
0x89: {  	s3 =	sld [smem:$0x3FFE];
	_ =	sdelay $0x1  }
0x8a: {  	s1 =	srdreg.scid  }
0x8b: {  	s0 =	sand.u32 $0x1, s1  }
0x8c: {  	s16 =	sshll.u32 s0, $0xA;
	s2 =	sadd.s32 s3, s2  }
0x8d: {  	s2 =	sadd.s32 s2, s16  }
0x8e: {  	[smem:$0x3FC0] =	sst s2  }
0x8f: {  	_ = 	snop  }
0x90: {  	(tm) =	ssettm $0x1  }
0x91: {  	s17 =	sld [smem:$0x3FFB];
	_ =	sdelay $0x3  }
0x92: {  	_ =	strace s17  }
0x93: {  	s2 =	sld [smem:$0x3FFC];
	_ =	sdelay $0x3  }
0x94: {  	_ =	strace s2  }
0x95: {  	s2 =	sld [smem:$0x3FFD];
	_ =	sdelay $0x3  }
0x96: {  	_ =	strace s2  }
0x97: {  	_ =	strace $0x8FFFFFFF  }
0x98: {  	s18 =	sld [smem:$0x3FDB];
	_ =	sdelay $0x1  }
0x99: {  	s19 =	simm.s32 $_scs_section_size  }
0x9a: {  	s4 =	simm.s32 $_size__tile_overlayer_lowered;
	s5 =	simm.s32 $_tile_overlayer_lowered  }
0x9b: {  	s22 =	simm.s32 $0x1BFF;
	s21 =	sshll.u32 s5, $0x1;
	s2 =	sadd.s32 s19, s18  }
0x9c: {  	s6 =	simm.s32 $0x0;
	s20 =	sshll.u32 s4, $0x1;
	s4 =	sadd.s32 s21, s2  }
0x9d: {  	[timem:s6], [sflag:s22] =	dma.local [hbm:s4], s20  }
0x9e: {  	_ =	swait.ge [sflag:s22], s20  }
0x9f: {  	s3 =	ssub.s32 $0x0, s20;
	[sflag:s22] =	ssyncset.done $0x0  }
0xa0: {  	[sflag:s22] =	ssyncadd.s32 s3;
	_ =	sdelay $0x1  }
0xa1: {  	s23 =	simm.s32 $0x1B8B  }
0xa2: {  	_ =	swait.ge [sflag:s23], $0x1  }
0xa3: {  	[sflag:s23] =	ssyncset.done $0x0  }
0xa4: {  	s25 =	simm.s32 $0x1B8E;
	s24 =	sld [smem:$0x3FFE];
	[sflag:s23] =	ssyncadd.s32 $0xFFFFFFFF  }
0xa5: {  	s26 =	simm.s32 $execute0_lowered;
	[smem:$0x3FD2] =	sst s25  }
0xa6: {  	s4 =	sshll.u32 s26, $0x1;
	_ =	strace $0x80000046;
	[dreg:$0x1] =	wrdreg $0xFFFFFFFF  }
0xa7: {  	s28 =	simm.s32 $_size_execute0_lowered;
	s2 =	sadd.s32 s2, s4;
	[dreg:$0x0] =	wrdreg $0x0  }
0xa8: {  	s4 =	sshll.u32 s28, $0x1;
	[dreg:$0x2] =	wrdreg s2  }
0xa9: {  	[dreg:$0x3] =	wrdreg s4  }
0xaa: {  	[dreg:$0x4] =	wrdreg $0xC0  }
0xab: {  	_ =	task [dreg:s6], $0x5FFFF  }
0xac: {  	[dreg:$0x1] =	wrdreg $0xFFFFFFFF  }
0xad: {  	[dreg:$0x0] =	wrdreg $0x60  }
0xae: {  	[dreg:$0x2] =	wrdreg s24  }
0xaf: {  	[dreg:$0x3] =	wrdreg $0x9  }
0xb0: {  	_ =	task.clear_ibuf [dreg:s6], $0x4FFFF;
	_ =	strace $0x90000046  }
0xb1: {  	s29 =	simm.s32 $0x9;
	_ =	strace $0x80000048  }
0xb2: {  	_ =	swait.ge [sflag:s29], $0x1  }
0xb3: {  	[sflag:s29] =	ssyncadd.s32 $0xFFFFFFFF  }
0xb4: {  	_ =	strace $0x90000048  }
0xb5: {  	_ =	sfence  }
0xb6: {  	s30 =	sld [smem:$0x0];
	_ =	sdelay $0x2  }
0xb7: {  	s31 =	sshll.u32 s1, $0xD;
	s1 =	sshrl.u32 s1, $0x2  }
0xb8: {  	s3 =	sand.u32 $0x4000, s31;
	s1 =	sadd.s32 s1, s30  }
0xb9: {  	s0 =	sor.u32 s3, s0;
	s1 =	sshll.u32 s1, $0x11  }
0xba: {  	s0 =	sor.u32 s1, s0  }
0xbb: {  	s0 =	sadd.s32 $0x8F2B, s0  }
0xbc: {  	[sflag:s0] =	ssyncadd.remote.s32 $0x1  }
0xbd: {  	_ =	sfence.sel $0xFFFF  }
0xbe: {  	[dreg:$0x0] =	wrdreg $0xFFFFFFFF;
	(pc) =	sbr.abs _section_cstart, $3  }
0xbf: {  	[dreg:$0x1] =	wrdreg $0xFFFFFFFF  }
0xc0: {  	_ =	task.clear_ibuf [dreg:s6], $0x2FFFF;
	_ =	strace $0x9FFFFFFF  }
0xc1: {  	(tm) =	ssettm $0x7FFFFFFF  }
tec
execute0_lowered:
.L_overlay_start_1:
0x0: {  	(tag) =	ssettag $0x1  }
0x1: {  	s1 =	srdreg.scid  }
0x2: {  	s0 =	stileid.u32;
	s6 =	sand.u32 $0x1, s1  }
0x3: {  	s8 =	rddreg [dreg:$0x0];
	s2 =	sshll.u32 s0, $0x6;
	s1 =	sshll.u32 s6, $0xA  }
0x4: {  	s5 =	sadd.s32 $0x4E600, s8;
	s10 =	ssub.s32 $0x2, s6;
	s7 =	sor.u32 s2, s1  }
0x5: {  	s1 =	rddreg [dreg:$0x1];
	s2 =	simm.s32 $0x0;
	s3 =	sshrl.u32 s7, $0x3  }
0x6: {  	s6 =	simm.s32 $0x40;
	[smem:$0x7FF] =	sst s2;
	s3 =	sadd.s32 s3, s8  }
0x7: {  	_ =	strace $0x80000047;
	s4 =	sadd.s32 $0x3400, s3;
	s3 =	simm.s32 $0x2  }
0x8: {  	[tilespmem:s2], [sflag:$0x2] =	stream.linear.gather [hbm4b:s4+s2], $0x40, $0x38;
	[tilespmem:$0x3040] =	vst v63  }
0x9: {  	s11 =	sshrl.u32 s10, $0x1;
	s9 =	smul.u32 $0x18, s7;
	_ =	swait.ge [sflag:s3], $0x40  }
0xa: {  	s7 =	simm.s32 $0x1;
	s31 =	ssub.s32 s10, s11;
	[sflag:s3] =	ssyncset.done $0x0  }
0xb: {  	s8 =	sadd.s32 s9, s8;
	s9 =	smax.u32 s31, $0x1;
	[sflag:s3] =	ssyncadd.s32 $0xFFFFFFC0  }
0xc: {  	[tilespmem:s6], [sflag:$0x1] =	stream.indirect.gather [hbm4b:s5+s6], $0xC0, s2, s6, $0xb8;
	[tilespmem:$0x3040] =	vst v63  }
0xd: {  	p0 =	sne.s32 s9, $0x1;
	_ =	swait.ge [sflag:s7], $0x3000  }
.Ltmp0:
0xe: {  	[sflag:s7] =	ssyncset.done $0x0;
	(pc) =	sbr.rel @!p0 .LBB2_2-.Ltmp0, $4  }
0xf: {  	s8 =	sadd.s32 $0x97E00, s8;
	[sflag:s7] =	ssyncadd.s32 $0xFFFFD000  }
0x10: {  	[hbm4b:s8+s2] =	stream.linear.scatter [tilespmem:s6], [sflag:$0x2], $0x3000, $0x38;
	[tilespmem:$0x3040] =	vst v63  }
0x11: {  	_ =	swait.ge [sflag:s3], $0x3000  }
0x12: {  	s9 =	sadd.s32 $0xFFFFFFFF, s9;
	[sflag:s3] =	ssyncset.done $0x0  }
.LBB2_1:
0x13: {  	p0 =	sne.s32 s9, $0x1;
	s9 =	sadd.s32 $0xFFFFFFFF, s9;
	[sflag:s3] =	ssyncadd.s32 $0xFFFFD000  }
0x14: {  	[tilespmem:s2], [sflag:$0x2] =	stream.linear.gather [hbm4b:s4+s2], $0x40, $0x38;
	[tilespmem:$0x3040] =	vst v63  }
0x15: {  	_ =	swait.ge [sflag:s3], $0x40  }
0x16: {  	[sflag:s3] =	ssyncset.done $0x0  }
0x17: {  	[sflag:s3] =	ssyncadd.s32 $0xFFFFFFC0  }
0x18: {  	[tilespmem:s6], [sflag:$0x1] =	stream.indirect.gather [hbm4b:s5+s6], $0xC0, s2, s6, $0xb8;
	[tilespmem:$0x3040] =	vst v63  }
0x19: {  	_ =	swait.ge [sflag:s7], $0x3000  }
.Ltmp1:
0x1a: {  	[sflag:s7] =	ssyncset.done $0x0;
	(pc) =	sbr.rel @p0 .LBB2_1-.Ltmp1, $4  }
0x1b: {  	[sflag:s7] =	ssyncadd.s32 $0xFFFFD000  }
0x1c: {  	[hbm4b:s8+s2] =	stream.linear.scatter [tilespmem:s6], [sflag:$0x2], $0x3000, $0x38;
	[tilespmem:$0x3040] =	vst v63  }
0x1d: {  	_ =	swait.ge [sflag:s3], $0x3000  }
0x1e: {  	[sflag:s3] =	ssyncset.done $0x0  }
.LBB2_2:
0x1f: {  	[sflag:s3] =	ssyncadd.s32 $0xFFFFD000  }
0x20: {  	_ =	sfence.sel $0x180000  }
0x21: {  	[bflag:$0x0] =	sbarrier.arrive $0xFFFF  }
0x22: {  	p0 =	sne.s32 s0, $0x0;
	_ =	strace $0x90000047  }
0x23: {  	s0 =	sadd.s32 @!p0 $0x100000, s1;
	[bflag:$0x2] =	sbarrier.arrive $0xFFFF  }
0x24: {  	[sflag:s0] =	ssyncadd.tile.s32 @!p0 $0x1;
	_ =	shalt  }
.Lfunc_end2:
_tile_overlayer_lowered:
.L_overlay_start_2:
0x25: {  	(tag) =	ssettag $0x2  }
0x26: {  	s0 =	rddreg [dreg:$0x0];
	s2 =	stileid.u32  }
0x27: {  	s1 =	rddreg [dreg:$0x1];
	p0 =	sne.s32 s2, $0x0  }
0x28: {  	s3 =	rddreg [dreg:$0x2];
	[bflag:$0x3] =	sbarrier.arrive $0xFFFF;
	s2 =	simm.s32 @!p0 $0x1C02  }
0x29: {  	[timem:s3], [sflag:s2] =	dma.local @!p0 [hbm:s0], s1  }
0x2a: {  	s0 =	simm.s32 @!p0 $0x2  }
0x2b: {  	_ =	swait.ge @!p0 [sflag:s0], s1  }
0x2c: {  	s1 =	ssub.s32 @!p0 $0x0, s1;
	[sflag:s0] =	ssyncset.done @!p0 $0x0  }
0x2d: {  	[sflag:s0] =	ssyncadd.s32 @!p0 s1  }
0x2e: {  	[bflag:$0x3] =	sbarrier.arrive $0xFFFF  }
0x2f: {  	_ =	shalt  }

</sc_bundles>
